<compile_context>
chip_gen: v7x
topology: tpu7x:2x2x1
jax: 0.10.2.dev20260603
libtpu: 0.0.44.dev20260713+nightly
codegen_flags: <defaults>
</compile_context>

<pallas_src>
import functools

import jax
import jax.numpy as jnp
from jax import lax
from jax.experimental import pallas as pl
from jax.experimental.pallas import tpu as pltpu
from jax.experimental.pallas import tpu_sc as plsc

NC, NS = 2, 16
NW = NC * NS


def _sc_gather(table, idx_flat, C=128):
    RT = idx_flat.shape[0]
    F = table.shape[1]
    rows_per_w = RT // NW
    chunks_per_w = rows_per_w // C
    mesh = plsc.VectorSubcoreMesh(core_axis_name="c", subcore_axis_name="s")

    @functools.partial(
        pl.kernel, mesh=mesh,
        out_type=jax.ShapeDtypeStruct((RT, F), table.dtype),
        scratch_types=[
            pltpu.VMEM((C,), jnp.int32),
            pltpu.VMEM((C, F), table.dtype),
            pltpu.SemaphoreType.DMA,
        ],
    )
    def gk(table_hbm, idx_hbm, out_hbm, idx_v, rows_v, sem):
        wid = lax.axis_index("s") * NC + lax.axis_index("c")
        base = wid * rows_per_w

        @pl.loop(0, chunks_per_w)
        def _(ci):
            off = base + ci * C
            pltpu.sync_copy(idx_hbm.at[pl.ds(off, C)], idx_v)
            pltpu.async_copy(table_hbm.at[idx_v], rows_v, sem).wait()
            pltpu.sync_copy(rows_v, out_hbm.at[pl.ds(off, C)])

    return gk(table, idx_flat)


def _combine_block(nf_ref, rbf_ref, w1_ref, b1_ref, w2_ref, b2_ref,
                   wf_ref, agg_ref, att_ref, *, TN, K, G, F):
    R = TN * K
    f32 = jnp.float32
    rbf = rbf_ref[...].reshape(R, G)
    nrm = jnp.sqrt(jnp.sum(rbf * rbf, axis=-1, keepdims=True))
    rbfn = rbf / (nrm + 1e-8)
    h = jnp.tanh(jnp.dot(rbfn.astype(jnp.bfloat16), w1_ref[...],
                         preferred_element_type=f32) + b1_ref[...])
    cf = jnp.dot(h.astype(jnp.bfloat16), w2_ref[...],
                 preferred_element_type=f32) + b2_ref[...]

    x = nf_ref[...]
    lo = lax.bitcast_convert_type(x << 16, f32)
    hi = lax.bitcast_convert_type(x & jnp.int32(-65536), f32)
    nf = jnp.concatenate([lo, hi], axis=-1)
    conv = nf * cf
    lgcol = jnp.sum(conv * wf_ref[...], axis=-1, keepdims=True)

    jmodk = jax.lax.broadcasted_iota(jnp.int32, (R, K), 0) % K
    m_sel = (jmodk == jax.lax.broadcasted_iota(jnp.int32, (R, K), 1)).astype(f32)
    s_rows = jax.lax.broadcasted_iota(jnp.int32, (TN, R), 1) // K
    s_sum = (s_rows == jax.lax.broadcasted_iota(jnp.int32, (TN, R), 0)).astype(f32)
    e_rows = jax.lax.broadcasted_iota(jnp.int32, (R, TN), 0) // K
    s_exp = (e_rows == jax.lax.broadcasted_iota(jnp.int32, (R, TN), 1)).astype(f32)

    lg = jnp.dot(s_sum, m_sel * lgcol, preferred_element_type=f32)
    mx = jnp.max(lg, axis=-1, keepdims=True)
    ex = jnp.exp(lg - mx)
    att = ex / jnp.sum(ex, axis=-1, keepdims=True)
    att_ref[...] = att

    attcol = jnp.sum(jnp.dot(s_exp, att, preferred_element_type=f32) * m_sel,
                     axis=-1, keepdims=True)
    agg_ref[...] = jnp.dot(s_sum, conv * attcol, preferred_element_type=f32)


def _tc_combine(nf_b, rbf_b, W1T, b1, W2T, b2, wfT, TN=128):
    N, K, G = rbf_b.shape
    F = nf_b.shape[-1] * 2
    R = TN * K
    kern = functools.partial(_combine_block, TN=TN, K=K, G=G, F=F)
    return pl.pallas_call(
        kern,
        grid=(N // TN,),
        in_specs=[
            pl.BlockSpec((R, F // 2), lambda i: (i, 0)),
            pl.BlockSpec((TN, K, G), lambda i: (i, 0, 0)),
            pl.BlockSpec((G, F), lambda i: (0, 0)),
            pl.BlockSpec((1, F), lambda i: (0, 0)),
            pl.BlockSpec((F, F), lambda i: (0, 0)),
            pl.BlockSpec((1, F), lambda i: (0, 0)),
            pl.BlockSpec((1, F), lambda i: (0, 0)),
        ],
        out_specs=[
            pl.BlockSpec((TN, F), lambda i: (i, 0)),
            pl.BlockSpec((TN, K), lambda i: (i, 0)),
        ],
        out_shape=[
            jax.ShapeDtypeStruct((N, F), jnp.float32),
            jax.ShapeDtypeStruct((N, K), jnp.float32),
        ],
        compiler_params=pltpu.CompilerParams(
            dimension_semantics=("arbitrary",)),
    )(nf_b, rbf_b, W1T, b1, W2T, b2, wfT)


@jax.jit
def _cfconv(features, rbf_expansion, neighbor_list, W1, b1, W2, b2, nbr_filter):
    B, N, F = features.shape
    _, _, K, G = rbf_expansion.shape
    fb16 = lax.bitcast_convert_type(features.astype(jnp.bfloat16),
                                    jnp.uint16).astype(jnp.uint32)
    packed = (fb16[..., F // 2:] << 16) | fb16[..., :F // 2]
    table = lax.bitcast_convert_type(packed, jnp.int32).reshape(B * N, F // 2)
    idx = (neighbor_list.astype(jnp.int32)
           + (jnp.arange(B, dtype=jnp.int32) * N)[:, None, None]
           ).reshape(B * N * K)
    rbf_flat = rbf_expansion.reshape(B * N, K, G)
    W1T = W1.T.astype(jnp.bfloat16)
    W2T = W2.T.astype(jnp.bfloat16)
    b1r, b2r, wfT = b1.reshape(1, F), b2.reshape(1, F), nbr_filter.T
    sizes = [2, 2, 2, 2]
    starts = [sum(sizes[:i]) for i in range(len(sizes))]
    nfs = [_sc_gather(table, idx[s * N * K:(s + sz) * N * K])
           for s, sz in zip(starts, sizes)]
    aggs, atts = [], []
    for nf_c, s, sz in zip(nfs, starts, sizes):
        agg_c, att_c = _tc_combine(nf_c, rbf_flat[s * N:(s + sz) * N],
                                   W1T, b1r, W2T, b2r, wfT)
        aggs.append(agg_c)
        atts.append(att_c)
    return (jnp.concatenate(aggs).reshape(B, N, F),
            jnp.concatenate(atts).reshape(B, N, K))


def kernel(features, rbf_expansion, neighbor_list, W1, b1, W2, b2, nbr_filter):
    return _cfconv(features, rbf_expansion, neighbor_list,
                   W1, b1, W2, b2, nbr_filter)

# --- scband reference (transcript-rebuilt; emitter-appended) ---
"""Pipeline reference for scband-cfconv-3796751089665 (READ-ONLY COPY).

The authoritative reference and input builder live on the scoring server;
editing this copy changes nothing except your own understanding.
"""

import jax, jax.numpy as jnp
import numpy as np

B, N, K, G, F = 8, 1024, 32, 128, 256

def setup_inputs(seed: int = 0):
    key = jax.random.key(seed)
    ks = jax.random.split(key, 8)
    features = jax.random.normal(ks[0], (B, N, F), dtype=jnp.float32)
    rbf_expansion = jax.random.uniform(ks[1], (B, N, K, G), dtype=jnp.float32)
    neighbor_list = jax.random.randint(ks[2], (B, N, K), 0, N).astype(jnp.int64)
    l1 = float(np.sqrt(6.0 / (G + F)))
    W1 = jax.random.uniform(ks[3], (F, G), minval=-l1, maxval=l1, dtype=jnp.float32)
    b1 = jnp.zeros((F,), dtype=jnp.float32)
    l2 = float(np.sqrt(6.0 / (F + F)))
    W2 = jax.random.uniform(ks[4], (F, F), minval=-l2, maxval=l2, dtype=jnp.float32)
    b2 = jnp.zeros((F,), dtype=jnp.float32)
    la = float(1.414 * np.sqrt(6.0 / (F + 1)))
    nbr_filter = jax.random.uniform(ks[5], (F, 1), minval=-la, maxval=la, dtype=jnp.float32)
    return {"features": features, "rbf_expansion": rbf_expansion, "neighbor_list": neighbor_list,
            "W1": W1, "b1": b1, "W2": W2, "b2": b2, "nbr_filter": nbr_filter}

def reference(features, rbf_expansion, neighbor_list, W1, b1, W2, b2, nbr_filter):
    b, n_atoms, n_neighbors = neighbor_list.shape
    norm = jnp.linalg.norm(rbf_expansion, axis=-1, keepdims=True)
    rbf_norm = rbf_expansion / (norm + 1e-8)
    h = jnp.tanh(rbf_norm @ W1.T + b1)
    conv_filter = h @ W2.T + b2
    idx = neighbor_list.reshape(b, n_atoms * n_neighbors, 1)
    neighbor_features = jnp.take_along_axis(features, idx, axis=1)
    neighbor_features = neighbor_features.reshape(b, n_atoms, n_neighbors, -1)
    conv_features = neighbor_features * conv_filter
    attention_weights = jnp.squeeze(conv_features @ nbr_filter, axis=-1)
    attention_weights = jax.nn.softmax(attention_weights, axis=-1)
    aggregated_features = jnp.einsum('bij,bijc->bic', attention_weights, conv_features)
    return (aggregated_features, attention_weights)

if __name__ == "__main__":
    import jax
    _d = setup_inputs()
    print(jax.jit(kernel)(*tuple(_d.values())))

</pallas_src>

<mosaic_0001>
#map = affine_map<(d0, d1) -> (0, 0)>
#map1 = affine_map<(d0, d1) -> (0)>
module attributes {stable_mosaic.version = 14 : i64} {
  func.func @gk(%arg0: i32, %arg1: i32, %arg2: memref<8192x128xi32, #tpu.memory_space<hbm>>, %arg3: memref<65536xi32, #tpu.memory_space<hbm>>, %arg4: memref<65536x128xi32, #tpu.memory_space<hbm>>, %arg5: memref<128xi32, #tpu.memory_space<vmem>>, %arg6: memref<128x128xi32, #tpu.memory_space<vmem>>, %arg7: memref<!tpu.dma_semaphore, #tpu.memory_space<semaphore_mem>>) attributes {dimension_semantics = [#tpu.dimension_semantics<core_parallel>, #tpu.dimension_semantics<subcore_parallel>], iteration_bounds = array<i64: 2, 16>, scalar_prefetch = 0 : i64, scratch_operands = 3 : i64, tpu.core_type = #tpu.core_type<sc_vector_subcore>, window_params = [{transform_indices = #map}, {transform_indices = #map1}, {transform_indices = #map}]} {
    %mul3A = arith.constant 2 : i32
    %mul3A_0 = arith.muli %arg1, %mul3A : i32
    %add3A = arith.addi %mul3A_0, %arg0 : i32
    %mul3A_1 = arith.constant 2048 : i32
    %mul3A_2 = arith.muli %add3A, %mul3A_1 : i32
    %scan3A = arith.constant 0 : i32
    %scan3A_3 = arith.constant 16 : i32
    %scan3A_4 = arith.addi %scan3A, %scan3A_3 : i32
    %scan3A_5 = arith.constant 1 : i32
    scf.for %scan3A_7 = %scan3A to %scan3A_4 step %scan3A_5  : i32 {
      %mul3A_8 = arith.constant 1 : i32
      %mul3A_9 = arith.muli %scan3A_7, %mul3A_8 : i32
      %add3A_10 = arith.constant 0 : i32
      %add3A_11 = arith.addi %add3A_10, %mul3A_9 : i32
      %mul3A_12 = arith.constant 128 : i32
      %mul3A_13 = arith.muli %add3A_11, %mul3A_12 : i32
      %add3A_14 = arith.addi %mul3A_2, %mul3A_13 : i32
      "tpu.region"() ({
        %run_scoped3A = tpu.sem_alloc : memref<!tpu.dma_semaphore, #tpu.memory_space<semaphore_mem>>
        %dma_start3A_19 = tpu.memref_slice %arg3[%add3A_14] : memref<65536xi32, #tpu.memory_space<hbm>> -> memref<128xi32, #tpu.memory_space<hbm>>
        %dma_start3A_20 = tpu.memref_slice %arg3[%add3A_14] : memref<65536xi32, #tpu.memory_space<hbm>> -> memref<128xi32, #tpu.memory_space<hbm>>
        tpu.enqueue_dma source(%dma_start3A_20 : memref<128xi32, #tpu.memory_space<hbm>>) target(%arg5 : memref<128xi32, #tpu.memory_space<vmem>>) target_semaphore(%run_scoped3A : memref<!tpu.dma_semaphore, #tpu.memory_space<semaphore_mem>>)
        %dma_wait3A_21 = tpu.memref_slice %arg3[%add3A_14] : memref<65536xi32, #tpu.memory_space<hbm>> -> memref<128xi32, #tpu.memory_space<hbm>>
        %dma_wait3A_22 = tpu.memref_slice %arg3[%add3A_14] : memref<65536xi32, #tpu.memory_space<hbm>> -> memref<128xi32, #tpu.memory_space<hbm>>
        tpu.wait_dma2 semaphore(%run_scoped3A : memref<!tpu.dma_semaphore, #tpu.memory_space<semaphore_mem>>) src(%dma_wait3A_22 : memref<128xi32, #tpu.memory_space<hbm>>) dst(%arg5 : memref<128xi32, #tpu.memory_space<vmem>>)
        tpu.yield
      }) : () -> ()
      %dma_start3A = arith.constant 0 : i32
      %dma_start3A_15 = arith.constant 0 : i32
      %dma_start3A_16 = tpu.memref_slice %arg2[%dma_start3A, %dma_start3A_15] : memref<8192x128xi32, #tpu.memory_space<hbm>> -> memref<8192x128xi32, #tpu.memory_space<hbm>>
      tpu.enqueue_indirect_dma source(%dma_start3A_16 : memref<8192x128xi32, #tpu.memory_space<hbm>>) target(%arg6 : memref<128x128xi32, #tpu.memory_space<vmem>>) offsets(%arg5 : memref<128xi32, #tpu.memory_space<vmem>>) semaphore(%arg7 : memref<!tpu.dma_semaphore, #tpu.memory_space<semaphore_mem>>)
      %dma_wait3A = arith.constant 0 : i32
      %dma_wait3A_17 = arith.constant 0 : i32
      %dma_wait3A_18 = tpu.memref_slice %arg2[%dma_wait3A, %dma_wait3A_17] : memref<8192x128xi32, #tpu.memory_space<hbm>> -> memref<8192x128xi32, #tpu.memory_space<hbm>>
      tpu.wait_indirect_dma semaphore(%arg7 : memref<!tpu.dma_semaphore, #tpu.memory_space<semaphore_mem>>) src(%dma_wait3A_18 : memref<8192x128xi32, #tpu.memory_space<hbm>>) dst(%arg6 : memref<128x128xi32, #tpu.memory_space<vmem>>)
      "tpu.region"() ({
        %run_scoped3A = tpu.sem_alloc : memref<!tpu.dma_semaphore, #tpu.memory_space<semaphore_mem>>
        %dma_start3A_19 = arith.constant 0 : i32
        %dma_start3A_20 = tpu.memref_slice %arg4[%add3A_14, %dma_start3A_19] : memref<65536x128xi32, #tpu.memory_space<hbm>> -> memref<128x128xi32, #tpu.memory_space<hbm>>
        %dma_start3A_21 = arith.constant 0 : i32
        %dma_start3A_22 = tpu.memref_slice %arg4[%add3A_14, %dma_start3A_21] : memref<65536x128xi32, #tpu.memory_space<hbm>> -> memref<128x128xi32, #tpu.memory_space<hbm>>
        tpu.enqueue_dma source(%arg6 : memref<128x128xi32, #tpu.memory_space<vmem>>) target(%dma_start3A_22 : memref<128x128xi32, #tpu.memory_space<hbm>>) target_semaphore(%run_scoped3A : memref<!tpu.dma_semaphore, #tpu.memory_space<semaphore_mem>>)
        %dma_wait3A_23 = arith.constant 0 : i32
        %dma_wait3A_24 = tpu.memref_slice %arg4[%add3A_14, %dma_wait3A_23] : memref<65536x128xi32, #tpu.memory_space<hbm>> -> memref<128x128xi32, #tpu.memory_space<hbm>>
        %dma_wait3A_25 = arith.constant 0 : i32
        %dma_wait3A_26 = tpu.memref_slice %arg4[%add3A_14, %dma_wait3A_25] : memref<65536x128xi32, #tpu.memory_space<hbm>> -> memref<128x128xi32, #tpu.memory_space<hbm>>
        tpu.wait_dma2 semaphore(%run_scoped3A : memref<!tpu.dma_semaphore, #tpu.memory_space<semaphore_mem>>) src(%arg6 : memref<128x128xi32, #tpu.memory_space<vmem>>) dst(%dma_wait3A_26 : memref<128x128xi32, #tpu.memory_space<hbm>>)
        tpu.yield
      }) : () -> ()
    }
    %scan3A_6 = arith.constant 16 : i32
    return
  }
}

#map = affine_map<(d0, d1) -> (0, 0)>
#map1 = affine_map<(d0, d1) -> (0)>
module attributes {stable_mosaic.version = 14 : i64} {
  func.func @gk(%arg0: i32, %arg1: i32, %arg2: memref<8192x128xi32, #tpu.memory_space<hbm>>, %arg3: memref<65536xi32, #tpu.memory_space<hbm>>, %arg4: memref<65536x128xi32, #tpu.memory_space<hbm>>, %arg5: memref<128xi32, #tpu.memory_space<vmem>>, %arg6: memref<128x128xi32, #tpu.memory_space<vmem>>, %arg7: memref<!tpu.dma_semaphore, #tpu.memory_space<semaphore_mem>>) attributes {dimension_semantics = [#tpu.dimension_semantics<core_parallel>, #tpu.dimension_semantics<subcore_parallel>], iteration_bounds = array<i64: 2, 16>, scalar_prefetch = 0 : i64, scratch_operands = 3 : i64, tpu.core_type = #tpu.core_type<sc_vector_subcore>, window_params = [{transform_indices = #map}, {transform_indices = #map1}, {transform_indices = #map}]} {
    %mul3A = arith.constant 2 : i32
    %mul3A_0 = arith.muli %arg1, %mul3A : i32
    %add3A = arith.addi %mul3A_0, %arg0 : i32
    %mul3A_1 = arith.constant 2048 : i32
    %mul3A_2 = arith.muli %add3A, %mul3A_1 : i32
    %scan3A = arith.constant 0 : i32
    %scan3A_3 = arith.constant 16 : i32
    %scan3A_4 = arith.addi %scan3A, %scan3A_3 : i32
    %scan3A_5 = arith.constant 1 : i32
    scf.for %scan3A_7 = %scan3A to %scan3A_4 step %scan3A_5  : i32 {
      %mul3A_8 = arith.constant 1 : i32
      %mul3A_9 = arith.muli %scan3A_7, %mul3A_8 : i32
      %add3A_10 = arith.constant 0 : i32
      %add3A_11 = arith.addi %add3A_10, %mul3A_9 : i32
      %mul3A_12 = arith.constant 128 : i32
      %mul3A_13 = arith.muli %add3A_11, %mul3A_12 : i32
      %add3A_14 = arith.addi %mul3A_2, %mul3A_13 : i32
      "tpu.region"() ({
        %run_scoped3A = tpu.sem_alloc : memref<!tpu.dma_semaphore, #tpu.memory_space<semaphore_mem>>
        %dma_start3A_19 = tpu.memref_slice %arg3[%add3A_14] : memref<65536xi32, #tpu.memory_space<hbm>> -> memref<128xi32, #tpu.memory_space<hbm>>
        %dma_start3A_20 = tpu.memref_slice %arg3[%add3A_14] : memref<65536xi32, #tpu.memory_space<hbm>> -> memref<128xi32, #tpu.memory_space<hbm>>
        tpu.enqueue_dma source(%dma_start3A_20 : memref<128xi32, #tpu.memory_space<hbm>>) target(%arg5 : memref<128xi32, #tpu.memory_space<vmem>>) target_semaphore(%run_scoped3A : memref<!tpu.dma_semaphore, #tpu.memory_space<semaphore_mem>>)
        %dma_wait3A_21 = tpu.memref_slice %arg3[%add3A_14] : memref<65536xi32, #tpu.memory_space<hbm>> -> memref<128xi32, #tpu.memory_space<hbm>>
        %dma_wait3A_22 = tpu.memref_slice %arg3[%add3A_14] : memref<65536xi32, #tpu.memory_space<hbm>> -> memref<128xi32, #tpu.memory_space<hbm>>
        tpu.wait_dma2 semaphore(%run_scoped3A : memref<!tpu.dma_semaphore, #tpu.memory_space<semaphore_mem>>) src(%dma_wait3A_22 : memref<128xi32, #tpu.memory_space<hbm>>) dst(%arg5 : memref<128xi32, #tpu.memory_space<vmem>>)
        tpu.yield
      }) : () -> ()
      %dma_start3A = arith.constant 0 : i32
      %dma_start3A_15 = arith.constant 0 : i32
      %dma_start3A_16 = tpu.memref_slice %arg2[%dma_start3A, %dma_start3A_15] : memref<8192x128xi32, #tpu.memory_space<hbm>> -> memref<8192x128xi32, #tpu.memory_space<hbm>>
      tpu.enqueue_indirect_dma source(%dma_start3A_16 : memref<8192x128xi32, #tpu.memory_space<hbm>>) target(%arg6 : memref<128x128xi32, #tpu.memory_space<vmem>>) offsets(%arg5 : memref<128xi32, #tpu.memory_space<vmem>>) semaphore(%arg7 : memref<!tpu.dma_semaphore, #tpu.memory_space<semaphore_mem>>)
      %dma_wait3A = arith.constant 0 : i32
      %dma_wait3A_17 = arith.constant 0 : i32
      %dma_wait3A_18 = tpu.memref_slice %arg2[%dma_wait3A, %dma_wait3A_17] : memref<8192x128xi32, #tpu.memory_space<hbm>> -> memref<8192x128xi32, #tpu.memory_space<hbm>>
      tpu.wait_indirect_dma semaphore(%arg7 : memref<!tpu.dma_semaphore, #tpu.memory_space<semaphore_mem>>) src(%dma_wait3A_18 : memref<8192x128xi32, #tpu.memory_space<hbm>>) dst(%arg6 : memref<128x128xi32, #tpu.memory_space<vmem>>)
      "tpu.region"() ({
        %run_scoped3A = tpu.sem_alloc : memref<!tpu.dma_semaphore, #tpu.memory_space<semaphore_mem>>
        %dma_start3A_19 = arith.constant 0 : i32
        %dma_start3A_20 = tpu.memref_slice %arg4[%add3A_14, %dma_start3A_19] : memref<65536x128xi32, #tpu.memory_space<hbm>> -> memref<128x128xi32, #tpu.memory_space<hbm>>
        %dma_start3A_21 = arith.constant 0 : i32
        %dma_start3A_22 = tpu.memref_slice %arg4[%add3A_14, %dma_start3A_21] : memref<65536x128xi32, #tpu.memory_space<hbm>> -> memref<128x128xi32, #tpu.memory_space<hbm>>
        tpu.enqueue_dma source(%arg6 : memref<128x128xi32, #tpu.memory_space<vmem>>) target(%dma_start3A_22 : memref<128x128xi32, #tpu.memory_space<hbm>>) target_semaphore(%run_scoped3A : memref<!tpu.dma_semaphore, #tpu.memory_space<semaphore_mem>>)
        %dma_wait3A_23 = arith.constant 0 : i32
        %dma_wait3A_24 = tpu.memref_slice %arg4[%add3A_14, %dma_wait3A_23] : memref<65536x128xi32, #tpu.memory_space<hbm>> -> memref<128x128xi32, #tpu.memory_space<hbm>>
        %dma_wait3A_25 = arith.constant 0 : i32
        %dma_wait3A_26 = tpu.memref_slice %arg4[%add3A_14, %dma_wait3A_25] : memref<65536x128xi32, #tpu.memory_space<hbm>> -> memref<128x128xi32, #tpu.memory_space<hbm>>
        tpu.wait_dma2 semaphore(%run_scoped3A : memref<!tpu.dma_semaphore, #tpu.memory_space<semaphore_mem>>) src(%arg6 : memref<128x128xi32, #tpu.memory_space<vmem>>) dst(%dma_wait3A_26 : memref<128x128xi32, #tpu.memory_space<hbm>>)
        tpu.yield
      }) : () -> ()
    }
    %scan3A_6 = arith.constant 16 : i32
    return
  }
}

#map = affine_map<(d0, d1) -> (0, 0)>
#map1 = affine_map<(d0, d1) -> (0)>
module attributes {stable_mosaic.version = 14 : i64} {
  func.func @gk(%arg0: i32, %arg1: i32, %arg2: memref<8192x128xi32, #tpu.memory_space<hbm>>, %arg3: memref<65536xi32, #tpu.memory_space<hbm>>, %arg4: memref<65536x128xi32, #tpu.memory_space<hbm>>, %arg5: memref<128xi32, #tpu.memory_space<vmem>>, %arg6: memref<128x128xi32, #tpu.memory_space<vmem>>, %arg7: memref<!tpu.dma_semaphore, #tpu.memory_space<semaphore_mem>>) attributes {dimension_semantics = [#tpu.dimension_semantics<core_parallel>, #tpu.dimension_semantics<subcore_parallel>], iteration_bounds = array<i64: 2, 16>, scalar_prefetch = 0 : i64, scratch_operands = 3 : i64, tpu.core_type = #tpu.core_type<sc_vector_subcore>, window_params = [{transform_indices = #map}, {transform_indices = #map1}, {transform_indices = #map}]} {
    %mul3A = arith.constant 2 : i32
    %mul3A_0 = arith.muli %arg1, %mul3A : i32
    %add3A = arith.addi %mul3A_0, %arg0 : i32
    %mul3A_1 = arith.constant 2048 : i32
    %mul3A_2 = arith.muli %add3A, %mul3A_1 : i32
    %scan3A = arith.constant 0 : i32
    %scan3A_3 = arith.constant 16 : i32
    %scan3A_4 = arith.addi %scan3A, %scan3A_3 : i32
    %scan3A_5 = arith.constant 1 : i32
    scf.for %scan3A_7 = %scan3A to %scan3A_4 step %scan3A_5  : i32 {
      %mul3A_8 = arith.constant 1 : i32
      %mul3A_9 = arith.muli %scan3A_7, %mul3A_8 : i32
      %add3A_10 = arith.constant 0 : i32
      %add3A_11 = arith.addi %add3A_10, %mul3A_9 : i32
      %mul3A_12 = arith.constant 128 : i32
      %mul3A_13 = arith.muli %add3A_11, %mul3A_12 : i32
      %add3A_14 = arith.addi %mul3A_2, %mul3A_13 : i32
      "tpu.region"() ({
        %run_scoped3A = tpu.sem_alloc : memref<!tpu.dma_semaphore, #tpu.memory_space<semaphore_mem>>
        %dma_start3A_19 = tpu.memref_slice %arg3[%add3A_14] : memref<65536xi32, #tpu.memory_space<hbm>> -> memref<128xi32, #tpu.memory_space<hbm>>
        %dma_start3A_20 = tpu.memref_slice %arg3[%add3A_14] : memref<65536xi32, #tpu.memory_space<hbm>> -> memref<128xi32, #tpu.memory_space<hbm>>
        tpu.enqueue_dma source(%dma_start3A_20 : memref<128xi32, #tpu.memory_space<hbm>>) target(%arg5 : memref<128xi32, #tpu.memory_space<vmem>>) target_semaphore(%run_scoped3A : memref<!tpu.dma_semaphore, #tpu.memory_space<semaphore_mem>>)
        %dma_wait3A_21 = tpu.memref_slice %arg3[%add3A_14] : memref<65536xi32, #tpu.memory_space<hbm>> -> memref<128xi32, #tpu.memory_space<hbm>>
        %dma_wait3A_22 = tpu.memref_slice %arg3[%add3A_14] : memref<65536xi32, #tpu.memory_space<hbm>> -> memref<128xi32, #tpu.memory_space<hbm>>
        tpu.wait_dma2 semaphore(%run_scoped3A : memref<!tpu.dma_semaphore, #tpu.memory_space<semaphore_mem>>) src(%dma_wait3A_22 : memref<128xi32, #tpu.memory_space<hbm>>) dst(%arg5 : memref<128xi32, #tpu.memory_space<vmem>>)
        tpu.yield
      }) : () -> ()
      %dma_start3A = arith.constant 0 : i32
      %dma_start3A_15 = arith.constant 0 : i32
      %dma_start3A_16 = tpu.memref_slice %arg2[%dma_start3A, %dma_start3A_15] : memref<8192x128xi32, #tpu.memory_space<hbm>> -> memref<8192x128xi32, #tpu.memory_space<hbm>>
      tpu.enqueue_indirect_dma source(%dma_start3A_16 : memref<8192x128xi32, #tpu.memory_space<hbm>>) target(%arg6 : memref<128x128xi32, #tpu.memory_space<vmem>>) offsets(%arg5 : memref<128xi32, #tpu.memory_space<vmem>>) semaphore(%arg7 : memref<!tpu.dma_semaphore, #tpu.memory_space<semaphore_mem>>)
      %dma_wait3A = arith.constant 0 : i32
      %dma_wait3A_17 = arith.constant 0 : i32
      %dma_wait3A_18 = tpu.memref_slice %arg2[%dma_wait3A, %dma_wait3A_17] : memref<8192x128xi32, #tpu.memory_space<hbm>> -> memref<8192x128xi32, #tpu.memory_space<hbm>>
      tpu.wait_indirect_dma semaphore(%arg7 : memref<!tpu.dma_semaphore, #tpu.memory_space<semaphore_mem>>) src(%dma_wait3A_18 : memref<8192x128xi32, #tpu.memory_space<hbm>>) dst(%arg6 : memref<128x128xi32, #tpu.memory_space<vmem>>)
      "tpu.region"() ({
        %run_scoped3A = tpu.sem_alloc : memref<!tpu.dma_semaphore, #tpu.memory_space<semaphore_mem>>
        %dma_start3A_19 = arith.constant 0 : i32
        %dma_start3A_20 = tpu.memref_slice %arg4[%add3A_14, %dma_start3A_19] : memref<65536x128xi32, #tpu.memory_space<hbm>> -> memref<128x128xi32, #tpu.memory_space<hbm>>
        %dma_start3A_21 = arith.constant 0 : i32
        %dma_start3A_22 = tpu.memref_slice %arg4[%add3A_14, %dma_start3A_21] : memref<65536x128xi32, #tpu.memory_space<hbm>> -> memref<128x128xi32, #tpu.memory_space<hbm>>
        tpu.enqueue_dma source(%arg6 : memref<128x128xi32, #tpu.memory_space<vmem>>) target(%dma_start3A_22 : memref<128x128xi32, #tpu.memory_space<hbm>>) target_semaphore(%run_scoped3A : memref<!tpu.dma_semaphore, #tpu.memory_space<semaphore_mem>>)
        %dma_wait3A_23 = arith.constant 0 : i32
        %dma_wait3A_24 = tpu.memref_slice %arg4[%add3A_14, %dma_wait3A_23] : memref<65536x128xi32, #tpu.memory_space<hbm>> -> memref<128x128xi32, #tpu.memory_space<hbm>>
        %dma_wait3A_25 = arith.constant 0 : i32
        %dma_wait3A_26 = tpu.memref_slice %arg4[%add3A_14, %dma_wait3A_25] : memref<65536x128xi32, #tpu.memory_space<hbm>> -> memref<128x128xi32, #tpu.memory_space<hbm>>
        tpu.wait_dma2 semaphore(%run_scoped3A : memref<!tpu.dma_semaphore, #tpu.memory_space<semaphore_mem>>) src(%arg6 : memref<128x128xi32, #tpu.memory_space<vmem>>) dst(%dma_wait3A_26 : memref<128x128xi32, #tpu.memory_space<hbm>>)
        tpu.yield
      }) : () -> ()
    }
    %scan3A_6 = arith.constant 16 : i32
    return
  }
}

#map = affine_map<(d0, d1) -> (0, 0)>
#map1 = affine_map<(d0, d1) -> (0)>
module attributes {stable_mosaic.version = 14 : i64} {
  func.func @gk(%arg0: i32, %arg1: i32, %arg2: memref<8192x128xi32, #tpu.memory_space<hbm>>, %arg3: memref<65536xi32, #tpu.memory_space<hbm>>, %arg4: memref<65536x128xi32, #tpu.memory_space<hbm>>, %arg5: memref<128xi32, #tpu.memory_space<vmem>>, %arg6: memref<128x128xi32, #tpu.memory_space<vmem>>, %arg7: memref<!tpu.dma_semaphore, #tpu.memory_space<semaphore_mem>>) attributes {dimension_semantics = [#tpu.dimension_semantics<core_parallel>, #tpu.dimension_semantics<subcore_parallel>], iteration_bounds = array<i64: 2, 16>, scalar_prefetch = 0 : i64, scratch_operands = 3 : i64, tpu.core_type = #tpu.core_type<sc_vector_subcore>, window_params = [{transform_indices = #map}, {transform_indices = #map1}, {transform_indices = #map}]} {
    %mul3A = arith.constant 2 : i32
    %mul3A_0 = arith.muli %arg1, %mul3A : i32
    %add3A = arith.addi %mul3A_0, %arg0 : i32
    %mul3A_1 = arith.constant 2048 : i32
    %mul3A_2 = arith.muli %add3A, %mul3A_1 : i32
    %scan3A = arith.constant 0 : i32
    %scan3A_3 = arith.constant 16 : i32
    %scan3A_4 = arith.addi %scan3A, %scan3A_3 : i32
    %scan3A_5 = arith.constant 1 : i32
    scf.for %scan3A_7 = %scan3A to %scan3A_4 step %scan3A_5  : i32 {
      %mul3A_8 = arith.constant 1 : i32
      %mul3A_9 = arith.muli %scan3A_7, %mul3A_8 : i32
      %add3A_10 = arith.constant 0 : i32
      %add3A_11 = arith.addi %add3A_10, %mul3A_9 : i32
      %mul3A_12 = arith.constant 128 : i32
      %mul3A_13 = arith.muli %add3A_11, %mul3A_12 : i32
      %add3A_14 = arith.addi %mul3A_2, %mul3A_13 : i32
      "tpu.region"() ({
        %run_scoped3A = tpu.sem_alloc : memref<!tpu.dma_semaphore, #tpu.memory_space<semaphore_mem>>
        %dma_start3A_19 = tpu.memref_slice %arg3[%add3A_14] : memref<65536xi32, #tpu.memory_space<hbm>> -> memref<128xi32, #tpu.memory_space<hbm>>
        %dma_start3A_20 = tpu.memref_slice %arg3[%add3A_14] : memref<65536xi32, #tpu.memory_space<hbm>> -> memref<128xi32, #tpu.memory_space<hbm>>
        tpu.enqueue_dma source(%dma_start3A_20 : memref<128xi32, #tpu.memory_space<hbm>>) target(%arg5 : memref<128xi32, #tpu.memory_space<vmem>>) target_semaphore(%run_scoped3A : memref<!tpu.dma_semaphore, #tpu.memory_space<semaphore_mem>>)
        %dma_wait3A_21 = tpu.memref_slice %arg3[%add3A_14] : memref<65536xi32, #tpu.memory_space<hbm>> -> memref<128xi32, #tpu.memory_space<hbm>>
        %dma_wait3A_22 = tpu.memref_slice %arg3[%add3A_14] : memref<65536xi32, #tpu.memory_space<hbm>> -> memref<128xi32, #tpu.memory_space<hbm>>
        tpu.wait_dma2 semaphore(%run_scoped3A : memref<!tpu.dma_semaphore, #tpu.memory_space<semaphore_mem>>) src(%dma_wait3A_22 : memref<128xi32, #tpu.memory_space<hbm>>) dst(%arg5 : memref<128xi32, #tpu.memory_space<vmem>>)
        tpu.yield
      }) : () -> ()
      %dma_start3A = arith.constant 0 : i32
      %dma_start3A_15 = arith.constant 0 : i32
      %dma_start3A_16 = tpu.memref_slice %arg2[%dma_start3A, %dma_start3A_15] : memref<8192x128xi32, #tpu.memory_space<hbm>> -> memref<8192x128xi32, #tpu.memory_space<hbm>>
      tpu.enqueue_indirect_dma source(%dma_start3A_16 : memref<8192x128xi32, #tpu.memory_space<hbm>>) target(%arg6 : memref<128x128xi32, #tpu.memory_space<vmem>>) offsets(%arg5 : memref<128xi32, #tpu.memory_space<vmem>>) semaphore(%arg7 : memref<!tpu.dma_semaphore, #tpu.memory_space<semaphore_mem>>)
      %dma_wait3A = arith.constant 0 : i32
      %dma_wait3A_17 = arith.constant 0 : i32
      %dma_wait3A_18 = tpu.memref_slice %arg2[%dma_wait3A, %dma_wait3A_17] : memref<8192x128xi32, #tpu.memory_space<hbm>> -> memref<8192x128xi32, #tpu.memory_space<hbm>>
      tpu.wait_indirect_dma semaphore(%arg7 : memref<!tpu.dma_semaphore, #tpu.memory_space<semaphore_mem>>) src(%dma_wait3A_18 : memref<8192x128xi32, #tpu.memory_space<hbm>>) dst(%arg6 : memref<128x128xi32, #tpu.memory_space<vmem>>)
      "tpu.region"() ({
        %run_scoped3A = tpu.sem_alloc : memref<!tpu.dma_semaphore, #tpu.memory_space<semaphore_mem>>
        %dma_start3A_19 = arith.constant 0 : i32
        %dma_start3A_20 = tpu.memref_slice %arg4[%add3A_14, %dma_start3A_19] : memref<65536x128xi32, #tpu.memory_space<hbm>> -> memref<128x128xi32, #tpu.memory_space<hbm>>
        %dma_start3A_21 = arith.constant 0 : i32
        %dma_start3A_22 = tpu.memref_slice %arg4[%add3A_14, %dma_start3A_21] : memref<65536x128xi32, #tpu.memory_space<hbm>> -> memref<128x128xi32, #tpu.memory_space<hbm>>
        tpu.enqueue_dma source(%arg6 : memref<128x128xi32, #tpu.memory_space<vmem>>) target(%dma_start3A_22 : memref<128x128xi32, #tpu.memory_space<hbm>>) target_semaphore(%run_scoped3A : memref<!tpu.dma_semaphore, #tpu.memory_space<semaphore_mem>>)
        %dma_wait3A_23 = arith.constant 0 : i32
        %dma_wait3A_24 = tpu.memref_slice %arg4[%add3A_14, %dma_wait3A_23] : memref<65536x128xi32, #tpu.memory_space<hbm>> -> memref<128x128xi32, #tpu.memory_space<hbm>>
        %dma_wait3A_25 = arith.constant 0 : i32
        %dma_wait3A_26 = tpu.memref_slice %arg4[%add3A_14, %dma_wait3A_25] : memref<65536x128xi32, #tpu.memory_space<hbm>> -> memref<128x128xi32, #tpu.memory_space<hbm>>
        tpu.wait_dma2 semaphore(%run_scoped3A : memref<!tpu.dma_semaphore, #tpu.memory_space<semaphore_mem>>) src(%arg6 : memref<128x128xi32, #tpu.memory_space<vmem>>) dst(%dma_wait3A_26 : memref<128x128xi32, #tpu.memory_space<hbm>>)
        tpu.yield
      }) : () -> ()
    }
    %scan3A_6 = arith.constant 16 : i32
    return
  }
}

module attributes {stable_mosaic.version = 14 : i64} {
  func.func @_combine_block(%arg0: i32, %arg1: memref<4096x128xi32, #tpu.memory_space<vmem>>, %arg2: memref<128x32x128xf32, #tpu.memory_space<vmem>>, %arg3: memref<128x256xbf16, #tpu.memory_space<vmem>>, %arg4: memref<1x256xf32, #tpu.memory_space<vmem>>, %arg5: memref<256x256xbf16, #tpu.memory_space<vmem>>, %arg6: memref<1x256xf32, #tpu.memory_space<vmem>>, %arg7: memref<1x256xf32, #tpu.memory_space<vmem>>, %arg8: memref<128x256xf32, #tpu.memory_space<vmem>>, %arg9: memref<128x32xf32, #tpu.memory_space<vmem>>) attributes {dimension_semantics = [#tpu.dimension_semantics<arbitrary>], iteration_bounds = array<i64: 16>, scalar_prefetch = 0 : i64, scratch_operands = 0 : i64, tpu.core_type = #tpu.core_type<tc>, window_params = [{transform_indices = @transform_0, window_bounds = array<i64: 4096, 128>}, {transform_indices = @transform_1, window_bounds = array<i64: 128, 32, 128>}, {pipeline_mode = #tpu.pipeline_mode<synchronous>, transform_indices = @transform_2, window_bounds = array<i64: 128, 256>}, {pipeline_mode = #tpu.pipeline_mode<synchronous>, transform_indices = @transform_3, window_bounds = array<i64: 1, 256>}, {pipeline_mode = #tpu.pipeline_mode<synchronous>, transform_indices = @transform_4, window_bounds = array<i64: 256, 256>}, {pipeline_mode = #tpu.pipeline_mode<synchronous>, transform_indices = @transform_5, window_bounds = array<i64: 1, 256>}, {pipeline_mode = #tpu.pipeline_mode<synchronous>, transform_indices = @transform_6, window_bounds = array<i64: 1, 256>}, {transform_indices = @transform_7, window_bounds = array<i64: 128, 256>}, {transform_indices = @transform_8, window_bounds = array<i64: 128, 32>}]} {
    %get3A = arith.constant 0 : index
    %get3A_0 = arith.constant 0 : index
    %get3A_1 = arith.constant 0 : index
    %get3A_2 = vector.load %arg2[%get3A, %get3A_0, %get3A_1] : memref<128x32x128xf32, #tpu.memory_space<vmem>>, vector<128x32x128xf32>
    %reshape3A = vector.shape_cast %get3A_2 : vector<128x32x128xf32> to vector<4096x128xf32>
    %mul3A = arith.mulf %reshape3A, %reshape3A : vector<4096x128xf32>
    %reduce_sum3A = arith.constant dense<0.000000e+00> : vector<4096xf32>
    %reduce_sum3A_3 = vector.multi_reduction <add>, %mul3A, %reduce_sum3A [1] : vector<4096x128xf32> to vector<4096xf32>
    %broadcast_in_dim3A = vector.shape_cast %reduce_sum3A_3 : vector<4096xf32> to vector<4096x1xf32>
    %sqrt3A = math.sqrt %broadcast_in_dim3A : vector<4096x1xf32>
    %add3A = arith.constant 9.99999993E-9 : f32
    %add3A_4 = vector.broadcast %add3A : f32 to vector<4096x1xf32>
    %add3A_5 = arith.addf %sqrt3A, %add3A_4 : vector<4096x1xf32>
    %div3A = vector.broadcast %add3A_5 : vector<4096x1xf32> to vector<4096x128xf32>
    %div3A_6 = arith.divf %reshape3A, %div3A : vector<4096x128xf32>
    %convert_element_type3A = arith.truncf %div3A_6 : vector<4096x128xf32> to vector<4096x128xbf16>
    %get3A_7 = arith.constant 0 : index
    %get3A_8 = arith.constant 0 : index
    %get3A_9 = vector.load %arg3[%get3A_7, %get3A_8] : memref<128x256xbf16, #tpu.memory_space<vmem>>, vector<128x256xbf16>
    %dot_general3A = arith.constant dense<0.000000e+00> : vector<4096x256xf32>
    %dot_general3A_10 = tpu.matmul %convert_element_type3A, %get3A_9, %dot_general3A {dimension_numbers = #tpu.dot_dimension_numbers<[1], [0], [0], [1], [0, 0, 1, 1], [], []>, transpose_lhs_hint = false} : vector<4096x128xbf16>, vector<128x256xbf16>, vector<4096x256xf32> -> vector<4096x256xf32>
    %get3A_11 = arith.constant 0 : index
    %get3A_12 = arith.constant 0 : index
    %get3A_13 = vector.load %arg4[%get3A_11, %get3A_12] : memref<1x256xf32, #tpu.memory_space<vmem>>, vector<1x256xf32>
    %add3A_14 = vector.broadcast %get3A_13 : vector<1x256xf32> to vector<4096x256xf32>
    %add3A_15 = arith.addf %dot_general3A_10, %add3A_14 : vector<4096x256xf32>
    %tanh3A = math.tanh %add3A_15 : vector<4096x256xf32>
    %convert_element_type3A_16 = arith.truncf %tanh3A : vector<4096x256xf32> to vector<4096x256xbf16>
    %get3A_17 = arith.constant 0 : index
    %get3A_18 = arith.constant 0 : index
    %get3A_19 = vector.load %arg5[%get3A_17, %get3A_18] : memref<256x256xbf16, #tpu.memory_space<vmem>>, vector<256x256xbf16>
    %dot_general3A_20 = arith.constant dense<0.000000e+00> : vector<4096x256xf32>
    %dot_general3A_21 = tpu.matmul %convert_element_type3A_16, %get3A_19, %dot_general3A_20 {dimension_numbers = #tpu.dot_dimension_numbers<[1], [0], [0], [1], [0, 0, 1, 1], [], []>, transpose_lhs_hint = false} : vector<4096x256xbf16>, vector<256x256xbf16>, vector<4096x256xf32> -> vector<4096x256xf32>
    %get3A_22 = arith.constant 0 : index
    %get3A_23 = arith.constant 0 : index
    %get3A_24 = vector.load %arg6[%get3A_22, %get3A_23] : memref<1x256xf32, #tpu.memory_space<vmem>>, vector<1x256xf32>
    %add3A_25 = vector.broadcast %get3A_24 : vector<1x256xf32> to vector<4096x256xf32>
    %add3A_26 = arith.addf %dot_general3A_21, %add3A_25 : vector<4096x256xf32>
    %get3A_27 = arith.constant 0 : index
    %get3A_28 = arith.constant 0 : index
    %get3A_29 = vector.load %arg1[%get3A_27, %get3A_28] : memref<4096x128xi32, #tpu.memory_space<vmem>>, vector<4096x128xi32>
    %shift_left3A = arith.constant 16 : i32
    %shift_left3A_30 = vector.broadcast %shift_left3A : i32 to vector<4096x128xi32>
    %shift_left3A_31 = arith.shli %get3A_29, %shift_left3A_30 : vector<4096x128xi32>
    %bitcast_convert_type3A = tpu.bitcast %shift_left3A_31 : vector<4096x128xi32> -> vector<4096x128xf32>
    %and3A = arith.constant -65536 : i32
    %and3A_32 = vector.broadcast %and3A : i32 to vector<4096x128xi32>
    %and3A_33 = arith.andi %get3A_29, %and3A_32 : vector<4096x128xi32>
    %bitcast_convert_type3A_34 = tpu.bitcast %and3A_33 : vector<4096x128xi32> -> vector<4096x128xf32>
    %concatenate3A = tpu.concatenate %bitcast_convert_type3A, %bitcast_convert_type3A_34 in 1 : vector<4096x128xf32>, vector<4096x128xf32> -> vector<4096x256xf32>
    %mul3A_35 = arith.mulf %concatenate3A, %add3A_26 : vector<4096x256xf32>
    %get3A_36 = arith.constant 0 : index
    %get3A_37 = arith.constant 0 : index
    %get3A_38 = vector.load %arg7[%get3A_36, %get3A_37] : memref<1x256xf32, #tpu.memory_space<vmem>>, vector<1x256xf32>
    %mul3A_39 = vector.broadcast %get3A_38 : vector<1x256xf32> to vector<4096x256xf32>
    %mul3A_40 = arith.mulf %mul3A_35, %mul3A_39 : vector<4096x256xf32>
    %reduce_sum3A_41 = arith.constant dense<0.000000e+00> : vector<4096xf32>
    %reduce_sum3A_42 = vector.multi_reduction <add>, %mul3A_40, %reduce_sum3A_41 [1] : vector<4096x256xf32> to vector<4096xf32>
    %broadcast_in_dim3A_43 = vector.shape_cast %reduce_sum3A_42 : vector<4096xf32> to vector<4096x1xf32>
    %iota3A = tpu.iota {dimensions = array<i32: 0>} : vector<4096x32xi32>
    %jit3A = arith.constant 32 : i32
    %eq3A = arith.constant 0 : i32
    %eq3A_44 = arith.cmpi eq, %jit3A, %eq3A : i32
    %jit3A_45 = arith.constant 1 : i32
    %select_n3A = arith.select %eq3A_44, %jit3A_45, %jit3A : i32
    %rem3A = vector.broadcast %select_n3A : i32 to vector<4096x32xi32>
    %rem3A_46 = arith.remsi %iota3A, %rem3A : vector<4096x32xi32>
    %ne3A = arith.constant 0 : i32
    %ne3A_47 = vector.broadcast %ne3A : i32 to vector<4096x32xi32>
    %ne3A_48 = arith.cmpi ne, %rem3A_46, %ne3A_47 : vector<4096x32xi32>
    %lt3A = arith.constant 0 : i32
    %lt3A_49 = vector.broadcast %lt3A : i32 to vector<4096x32xi32>
    %lt3A_50 = arith.cmpi slt, %rem3A_46, %lt3A_49 : vector<4096x32xi32>
    %lt3A_51 = arith.constant 0 : i32
    %lt3A_52 = arith.cmpi slt, %select_n3A, %lt3A_51 : i32
    %ne3A_53 = vector.broadcast %lt3A_52 : i1 to vector<4096x32xi1>
    %ne3A_54 = vector.broadcast %ne3A_53 : vector<4096x32xi1> to vector<4096x32xi1>
    %ne3A_55 = arith.xori %lt3A_50, %ne3A_54 : vector<4096x32xi1>
    %and3A_56 = arith.andi %ne3A_55, %ne3A_48 : vector<4096x32xi1>
    %add3A_57 = vector.broadcast %select_n3A : i32 to vector<4096x32xi32>
    %add3A_58 = arith.addi %rem3A_46, %add3A_57 : vector<4096x32xi32>
    %select_n3A_59 = arith.select %and3A_56, %add3A_58, %rem3A_46 : vector<4096x32xi1>, vector<4096x32xi32>
    %iota3A_60 = tpu.iota {dimensions = array<i32: 1>} : vector<4096x32xi32>
    %eq3A_61 = arith.cmpi eq, %select_n3A_59, %iota3A_60 : vector<4096x32xi32>
    %convert_element_type3A_62 = arith.extui %eq3A_61 : vector<4096x32xi1> to vector<4096x32xi32>
    %convert_element_type3A_63 = arith.sitofp %convert_element_type3A_62 : vector<4096x32xi32> to vector<4096x32xf32>
    %iota3A_64 = tpu.iota {dimensions = array<i32: 1>} : vector<128x4096xi32>
    %jit3A_65 = arith.constant 32 : i32
    %div3A_66 = vector.broadcast %jit3A_65 : i32 to vector<128x4096xi32>
    %div3A_67 = arith.divsi %iota3A_64, %div3A_66 : vector<128x4096xi32>
    %sign3A = arith.constant 0 : i32
    %sign3A_68 = vector.broadcast %sign3A : i32 to vector<128x4096xi32>
    %sign3A_69 = arith.cmpi sgt, %iota3A_64, %sign3A_68 : vector<128x4096xi32>
    %sign3A_70 = arith.extui %sign3A_69 : vector<128x4096xi1> to vector<128x4096xi32>
    %sign3A_71 = arith.constant 0 : i32
    %sign3A_72 = vector.broadcast %sign3A_71 : i32 to vector<128x4096xi32>
    %sign3A_73 = arith.cmpi slt, %iota3A_64, %sign3A_72 : vector<128x4096xi32>
    %sign3A_74 = arith.extui %sign3A_73 : vector<128x4096xi1> to vector<128x4096xi32>
    %sign3A_75 = arith.subi %sign3A_70, %sign3A_74 : vector<128x4096xi32>
    %sign3A_76 = arith.constant 0 : i32
    %sign3A_77 = arith.cmpi sgt, %jit3A_65, %sign3A_76 : i32
    %sign3A_78 = arith.extui %sign3A_77 : i1 to i32
    %sign3A_79 = arith.constant 0 : i32
    %sign3A_80 = arith.cmpi slt, %jit3A_65, %sign3A_79 : i32
    %sign3A_81 = arith.extui %sign3A_80 : i1 to i32
    %sign3A_82 = arith.subi %sign3A_78, %sign3A_81 : i32
    %ne3A_83 = vector.broadcast %sign3A_82 : i32 to vector<128x4096xi32>
    %ne3A_84 = arith.cmpi ne, %sign3A_75, %ne3A_83 : vector<128x4096xi32>
    %rem3A_85 = vector.broadcast %jit3A_65 : i32 to vector<128x4096xi32>
    %rem3A_86 = arith.remsi %iota3A_64, %rem3A_85 : vector<128x4096xi32>
    %ne3A_87 = arith.constant 0 : i32
    %ne3A_88 = vector.broadcast %ne3A_87 : i32 to vector<128x4096xi32>
    %ne3A_89 = arith.cmpi ne, %rem3A_86, %ne3A_88 : vector<128x4096xi32>
    %and3A_90 = arith.andi %ne3A_84, %ne3A_89 : vector<128x4096xi1>
    %sub3A = arith.constant 1 : i32
    %sub3A_91 = vector.broadcast %sub3A : i32 to vector<128x4096xi32>
    %sub3A_92 = arith.subi %div3A_67, %sub3A_91 : vector<128x4096xi32>
    %select_n3A_93 = arith.select %and3A_90, %sub3A_92, %div3A_67 : vector<128x4096xi1>, vector<128x4096xi32>
    %iota3A_94 = tpu.iota {dimensions = array<i32: 0>} : vector<128x4096xi32>
    %eq3A_95 = arith.cmpi eq, %select_n3A_93, %iota3A_94 : vector<128x4096xi32>
    %convert_element_type3A_96 = arith.extui %eq3A_95 : vector<128x4096xi1> to vector<128x4096xi32>
    %convert_element_type3A_97 = arith.sitofp %convert_element_type3A_96 : vector<128x4096xi32> to vector<128x4096xf32>
    %iota3A_98 = tpu.iota {dimensions = array<i32: 0>} : vector<4096x128xi32>
    %jit3A_99 = arith.constant 32 : i32
    %div3A_100 = vector.broadcast %jit3A_99 : i32 to vector<4096x128xi32>
    %div3A_101 = arith.divsi %iota3A_98, %div3A_100 : vector<4096x128xi32>
    %sign3A_102 = arith.constant 0 : i32
    %sign3A_103 = vector.broadcast %sign3A_102 : i32 to vector<4096x128xi32>
    %sign3A_104 = arith.cmpi sgt, %iota3A_98, %sign3A_103 : vector<4096x128xi32>
    %sign3A_105 = arith.extui %sign3A_104 : vector<4096x128xi1> to vector<4096x128xi32>
    %sign3A_106 = arith.constant 0 : i32
    %sign3A_107 = vector.broadcast %sign3A_106 : i32 to vector<4096x128xi32>
    %sign3A_108 = arith.cmpi slt, %iota3A_98, %sign3A_107 : vector<4096x128xi32>
    %sign3A_109 = arith.extui %sign3A_108 : vector<4096x128xi1> to vector<4096x128xi32>
    %sign3A_110 = arith.subi %sign3A_105, %sign3A_109 : vector<4096x128xi32>
    %sign3A_111 = arith.constant 0 : i32
    %sign3A_112 = arith.cmpi sgt, %jit3A_99, %sign3A_111 : i32
    %sign3A_113 = arith.extui %sign3A_112 : i1 to i32
    %sign3A_114 = arith.constant 0 : i32
    %sign3A_115 = arith.cmpi slt, %jit3A_99, %sign3A_114 : i32
    %sign3A_116 = arith.extui %sign3A_115 : i1 to i32
    %sign3A_117 = arith.subi %sign3A_113, %sign3A_116 : i32
    %ne3A_118 = vector.broadcast %sign3A_117 : i32 to vector<4096x128xi32>
    %ne3A_119 = arith.cmpi ne, %sign3A_110, %ne3A_118 : vector<4096x128xi32>
    %rem3A_120 = vector.broadcast %jit3A_99 : i32 to vector<4096x128xi32>
    %rem3A_121 = arith.remsi %iota3A_98, %rem3A_120 : vector<4096x128xi32>
    %ne3A_122 = arith.constant 0 : i32
    %ne3A_123 = vector.broadcast %ne3A_122 : i32 to vector<4096x128xi32>
    %ne3A_124 = arith.cmpi ne, %rem3A_121, %ne3A_123 : vector<4096x128xi32>
    %and3A_125 = arith.andi %ne3A_119, %ne3A_124 : vector<4096x128xi1>
    %sub3A_126 = arith.constant 1 : i32
    %sub3A_127 = vector.broadcast %sub3A_126 : i32 to vector<4096x128xi32>
    %sub3A_128 = arith.subi %div3A_101, %sub3A_127 : vector<4096x128xi32>
    %select_n3A_129 = arith.select %and3A_125, %sub3A_128, %div3A_101 : vector<4096x128xi1>, vector<4096x128xi32>
    %iota3A_130 = tpu.iota {dimensions = array<i32: 1>} : vector<4096x128xi32>
    %eq3A_131 = arith.cmpi eq, %select_n3A_129, %iota3A_130 : vector<4096x128xi32>
    %convert_element_type3A_132 = arith.extui %eq3A_131 : vector<4096x128xi1> to vector<4096x128xi32>
    %convert_element_type3A_133 = arith.sitofp %convert_element_type3A_132 : vector<4096x128xi32> to vector<4096x128xf32>
    %mul3A_134 = vector.broadcast %broadcast_in_dim3A_43 : vector<4096x1xf32> to vector<4096x32xf32>
    %mul3A_135 = arith.mulf %convert_element_type3A_63, %mul3A_134 : vector<4096x32xf32>
    %dot_general3A_136 = arith.constant dense<0.000000e+00> : vector<128x32xf32>
    %dot_general3A_137 = tpu.matmul %convert_element_type3A_97, %mul3A_135, %dot_general3A_136 {dimension_numbers = #tpu.dot_dimension_numbers<[1], [0], [0], [1], [0, 0, 1, 1], [], []>, transpose_lhs_hint = false} : vector<128x4096xf32>, vector<4096x32xf32>, vector<128x32xf32> -> vector<128x32xf32>
    %reduce_max3A = arith.constant dense<0xFF800000> : vector<128xf32>
    %reduce_max3A_138 = vector.multi_reduction <maximumf>, %dot_general3A_137, %reduce_max3A [1] : vector<128x32xf32> to vector<128xf32>
    %broadcast_in_dim3A_139 = vector.shape_cast %reduce_max3A_138 : vector<128xf32> to vector<128x1xf32>
    %sub3A_140 = vector.broadcast %broadcast_in_dim3A_139 : vector<128x1xf32> to vector<128x32xf32>
    %sub3A_141 = arith.subf %dot_general3A_137, %sub3A_140 : vector<128x32xf32>
    %exp3A = math.exp %sub3A_141 : vector<128x32xf32>
    %reduce_sum3A_142 = arith.constant dense<0.000000e+00> : vector<128xf32>
    %reduce_sum3A_143 = vector.multi_reduction <add>, %exp3A, %reduce_sum3A_142 [1] : vector<128x32xf32> to vector<128xf32>
    %broadcast_in_dim3A_144 = vector.shape_cast %reduce_sum3A_143 : vector<128xf32> to vector<128x1xf32>
    %div3A_145 = vector.broadcast %broadcast_in_dim3A_144 : vector<128x1xf32> to vector<128x32xf32>
    %div3A_146 = arith.divf %exp3A, %div3A_145 : vector<128x32xf32>
    %swap3A = arith.constant 0 : index
    %swap3A_147 = arith.constant 0 : index
    %swap3A_148 = vector.load %arg9[%swap3A, %swap3A_147] : memref<128x32xf32, #tpu.memory_space<vmem>>, vector<128x32xf32>
    tpu.vector_store %arg9[%swap3A, %swap3A_147], %div3A_146 {strides = array<i32>} : memref<128x32xf32, #tpu.memory_space<vmem>>, vector<128x32xf32>,
    %dot_general3A_149 = arith.constant dense<0.000000e+00> : vector<4096x32xf32>
    %dot_general3A_150 = tpu.matmul %convert_element_type3A_133, %div3A_146, %dot_general3A_149 {dimension_numbers = #tpu.dot_dimension_numbers<[1], [0], [0], [1], [0, 0, 1, 1], [], []>, transpose_lhs_hint = false} : vector<4096x128xf32>, vector<128x32xf32>, vector<4096x32xf32> -> vector<4096x32xf32>
    %mul3A_151 = arith.mulf %dot_general3A_150, %convert_element_type3A_63 : vector<4096x32xf32>
    %reduce_sum3A_152 = arith.constant dense<0.000000e+00> : vector<4096xf32>
    %reduce_sum3A_153 = vector.multi_reduction <add>, %mul3A_151, %reduce_sum3A_152 [1] : vector<4096x32xf32> to vector<4096xf32>
    %broadcast_in_dim3A_154 = vector.shape_cast %reduce_sum3A_153 : vector<4096xf32> to vector<4096x1xf32>
    %mul3A_155 = vector.broadcast %broadcast_in_dim3A_154 : vector<4096x1xf32> to vector<4096x256xf32>
    %mul3A_156 = arith.mulf %mul3A_35, %mul3A_155 : vector<4096x256xf32>
    %dot_general3A_157 = arith.constant dense<0.000000e+00> : vector<128x256xf32>
    %dot_general3A_158 = tpu.matmul %convert_element_type3A_97, %mul3A_156, %dot_general3A_157 {dimension_numbers = #tpu.dot_dimension_numbers<[1], [0], [0], [1], [0, 0, 1, 1], [], []>, transpose_lhs_hint = false} : vector<128x4096xf32>, vector<4096x256xf32>, vector<128x256xf32> -> vector<128x256xf32>
    %swap3A_159 = arith.constant 0 : index
    %swap3A_160 = arith.constant 0 : index
    %swap3A_161 = vector.load %arg8[%swap3A_159, %swap3A_160] : memref<128x256xf32, #tpu.memory_space<vmem>>, vector<128x256xf32>
    tpu.vector_store %arg8[%swap3A_159, %swap3A_160], %dot_general3A_158 {strides = array<i32>} : memref<128x256xf32, #tpu.memory_space<vmem>>, vector<128x256xf32>,
    return
  }
  func.func @transform_0(%arg0: i32) -> (i32, i32) {
    %c0_i32 = arith.constant 0 : i32
    %c0_i32_0 = arith.constant 0 : i32
    return %arg0, %c0_i32 : i32, i32
  }
  func.func @transform_1(%arg0: i32) -> (i32, i32, i32) {
    %c0_i32 = arith.constant 0 : i32
    %c0_i32_0 = arith.constant 0 : i32
    %c0_i32_1 = arith.constant 0 : i32
    return %arg0, %c0_i32, %c0_i32_0 : i32, i32, i32
  }
  func.func @transform_2(%arg0: i32) -> (i32, i32) {
    %c0_i32 = arith.constant 0 : i32
    %c0_i32_0 = arith.constant 0 : i32
    %c0_i32_1 = arith.constant 0 : i32
    return %c0_i32, %c0_i32_0 : i32, i32
  }
  func.func @transform_3(%arg0: i32) -> (i32, i32) {
    %c0_i32 = arith.constant 0 : i32
    %c0_i32_0 = arith.constant 0 : i32
    %c0_i32_1 = arith.constant 0 : i32
    return %c0_i32, %c0_i32_0 : i32, i32
  }
  func.func @transform_4(%arg0: i32) -> (i32, i32) {
    %c0_i32 = arith.constant 0 : i32
    %c0_i32_0 = arith.constant 0 : i32
    %c0_i32_1 = arith.constant 0 : i32
    return %c0_i32, %c0_i32_0 : i32, i32
  }
  func.func @transform_5(%arg0: i32) -> (i32, i32) {
    %c0_i32 = arith.constant 0 : i32
    %c0_i32_0 = arith.constant 0 : i32
    %c0_i32_1 = arith.constant 0 : i32
    return %c0_i32, %c0_i32_0 : i32, i32
  }
  func.func @transform_6(%arg0: i32) -> (i32, i32) {
    %c0_i32 = arith.constant 0 : i32
    %c0_i32_0 = arith.constant 0 : i32
    %c0_i32_1 = arith.constant 0 : i32
    return %c0_i32, %c0_i32_0 : i32, i32
  }
  func.func @transform_7(%arg0: i32) -> (i32, i32) {
    %c0_i32 = arith.constant 0 : i32
    %c0_i32_0 = arith.constant 0 : i32
    return %arg0, %c0_i32 : i32, i32
  }
  func.func @transform_8(%arg0: i32) -> (i32, i32) {
    %c0_i32 = arith.constant 0 : i32
    %c0_i32_0 = arith.constant 0 : i32
    return %arg0, %c0_i32 : i32, i32
  }
}

</mosaic_0001>

<sc_bundles>
// kernel: _cfconv.10.cloned.1.call-start
scs
__scs_entry_jumppad:
0x0: {  	(pc) =	sbr.rel $0x88, $3  }
0x1: {  	(tag) =	ssettag $0x0;
	lr =	simm.s32 $0x1  }
0x2: {  	[smem:$0x3F99] =	sst lr;
	_ =	strace $0xD0000000  }
0x3: {  	_ = 	snop  }
0x4: {  	_ = 	snop  }
0x5: {  	_ = 	snop  }
0x6: {  	_ = 	snop  }
0x7: {  	_ = 	snop  }
__scs_overlays_trampoline_lowered:
0x8: {  	[smem:$0x3FA8] =	sst s0  }
0x9: {  	[smem:$0x3FA9] =	sst s1  }
0xa: {  	[smem:$0x3FAA] =	sst s2  }
0xb: {  	[smem:$0x3FAB] =	sst s3  }
0xc: {  	[smem:$0x3FAC] =	sst s4  }
0xd: {  	[smem:$0x3FAD] =	sst s5  }
0xe: {  	[smem:$0x3FAE] =	sst s6  }
0xf: {  	[smem:$0x3FAF] =	sst s7  }
0x10: {  	[smem:$0x3FB0] =	sst s8  }
0x11: {  	[smem:$0x3FB1] =	sst s9;
	s0 =	simm.s32 @!p0 $0x0  }
0x12: {  	s1 =	sld [smem:$0x3F97];
	s0 =	simm.s32 @p0 $0x1  }
0x13: {  	[smem:$0x3FB2] =	sst s0;
	s0 =	simm.s32 @!p1 $0x0  }
0x14: {  	s2 =	sld [smem:$0x3F96];
	s0 =	simm.s32 @p1 $0x1  }
0x15: {  	[smem:$0x3FB3] =	sst s0;
	s0 =	simm.s32 @!p2 $0x0  }
0x16: {  	s3 =	sld [smem:$0x3FDB];
	s0 =	simm.s32 @p2 $0x1  }
0x17: {  	s4 =	simm.s32 $0x1BF5;
	[smem:$0x3FB5] =	sst s0  }
0x18: {  	s0 =	sld [smem:$0x3F98];
	_ =	swait.ge [sflag:s4], $0x0  }
0x19: {  	s7 =	sld [smem:$0x3F99]  }
0x1a: {  	s8 =	sadd.s32 $0xFFFFE003, lr  }
0x1b: {  	s9 =	sadd.s32 $0xFFFFFEF7, lr;
	s5 =	simm.s32 $0xFFFFFFFF;
	p2 =	slt.u32 s8, $0xFFFFF086  }
0x1c: {  	p1 =	slt.u32 s9, $0xF7A;
	s5 =	simm.s32 @!p2 $0x0  }
0x1d: {  	s5 =	simm.s32 @p1 $0x1;
	p0 =	seq.s32 s7, s2  }
0x1e: {  	s7 =	smul.u32 @!p0 $0xF7A, s2;
	p2 =	seq.s32 @!p0 s5, $0x0  }
0x1f: {  	s9 =	smul.u32 $0xF7A, s1;
	s8 =	simm.s32 @!p0 $0x1BF5;
	p2 =	por !p2, p0  }
0x20: {  	[sflag:s8] =	ssyncset.s32 @!p0 $0xFFFFF086;
	s6 =	sadd.s32 @!p0 s3, s7;
	s7 =	simm.s32 @!p0 $0x108  }
0x21: {  	s3 =	sadd.s32 s3, s9;
	s6 =	sadd.s32 @!p0 $0x88, s6;
	s7 =	simm.s32 @p2 $0x1082  }
0x22: {  	[simem:s7], [sflag:s8] =	dma.local @!p0 [hbm:s6], $0xF7A  }
0x23: {  	s9 =	sor.u32 $0xD0000000, s2;
	s6 =	simm.s32 $0x108;
	_ =	swait.ge @!p0 [sflag:s8], $0x0  }
0x24: {  	s3 =	sadd.s32 $0x88, s3;
	s6 =	simm.s32 @!p1 $0x1082;
	[sflag:s4] =	ssyncset.s32 $0xFFFFF086  }
0x25: {  	[simem:s6], [sflag:s4] =	dma.local [hbm:s3], $0xF7A  }
0x26: {  	[smem:$0x3F99] =	sst s1;
	(tag) =	ssettag s2;
	_ =	strace s9  }
0x27: {  	s1 =	sld [smem:$0x3FA9]  }
0x28: {  	s2 =	sld [smem:$0x3FAA]  }
0x29: {  	s4 =	sld [smem:$0x3FAC]  }
0x2a: {  	p0 =	seq.s32 s5, $0x0;
	s5 =	sld [smem:$0x3FAD]  }
0x2b: {  	s6 =	sld [smem:$0x3FAE]  }
0x2c: {  	s7 =	sld [smem:$0x3FAF]  }
0x2d: {  	s3 =	simm.s32 $0x108;
	s8 =	sld [smem:$0x3FB0]  }
0x2e: {  	s3 =	simm.s32 @!p0 $0x1082;
	s9 =	sld [smem:$0x3FB1]  }
0x2f: {  	lr =	sadd.s32 s0, s3;
	s0 =	sld [smem:$0x3FA8]  }
0x30: {  	s3 =	sld [smem:$0x3FAB]  }
0x31: {  	[smem:$0x3FB4] =	sst s10  }
0x32: {  	s10 =	sld [smem:$0x3FB2];
	_ =	sdelay $0x3  }
0x33: {  	p0 =	seq.s32 s10, $0x1;
	s10 =	sld [smem:$0x3FB4];
	_ =	sdelay $0x3  }
0x34: {  	[smem:$0x3FB4] =	sst s10  }
0x35: {  	s10 =	sld [smem:$0x3FB3];
	_ =	sdelay $0x3  }
0x36: {  	p1 =	seq.s32 s10, $0x1;
	s10 =	sld [smem:$0x3FB4];
	_ =	sdelay $0x3  }
0x37: {  	[smem:$0x3FB4] =	sst s10  }
0x38: {  	s10 =	sld [smem:$0x3FB5]  }
0x39: {  	_ = 	snop;
	(pc) =	sbr.ind lr, $3  }
0x3a: {  	_ = 	snop  }
0x3b: {  	_ = 	snop  }
0x3c: {  	p2 =	seq.s32 s10, $0x1;
	s10 =	sld [smem:$0x3FB4]  }
0x3d: {  	_ =	shalt  }
0x3e: {  	_ =	shalt  }
0x3f: {  	_ =	shalt  }
0x40: {  	_ =	shalt  }
0x41: {  	_ =	shalt  }
0x42: {  	_ =	shalt  }
0x43: {  	_ =	shalt  }
0x44: {  	_ =	shalt  }
0x45: {  	_ =	shalt  }
0x46: {  	_ =	shalt  }
0x47: {  	_ =	shalt  }
0x48: {  	_ =	shalt  }
0x49: {  	_ =	shalt  }
0x4a: {  	_ =	shalt  }
0x4b: {  	_ =	shalt  }
0x4c: {  	_ =	shalt  }
0x4d: {  	_ =	shalt  }
0x4e: {  	_ =	shalt  }
0x4f: {  	_ =	shalt  }
0x50: {  	_ =	shalt  }
0x51: {  	_ =	shalt  }
0x52: {  	_ =	shalt  }
0x53: {  	_ =	shalt  }
0x54: {  	_ =	shalt  }
0x55: {  	_ =	shalt  }
0x56: {  	_ =	shalt  }
0x57: {  	_ =	shalt  }
0x58: {  	_ =	shalt  }
0x59: {  	_ =	shalt  }
0x5a: {  	_ =	shalt  }
0x5b: {  	_ =	shalt  }
0x5c: {  	_ =	shalt  }
0x5d: {  	_ =	shalt  }
0x5e: {  	_ =	shalt  }
0x5f: {  	_ =	shalt  }
0x60: {  	_ =	shalt  }
0x61: {  	_ =	shalt  }
0x62: {  	_ =	shalt  }
0x63: {  	_ =	shalt  }
0x64: {  	_ =	shalt  }
0x65: {  	_ =	shalt  }
0x66: {  	_ =	shalt  }
0x67: {  	_ =	shalt  }
0x68: {  	_ =	shalt  }
0x69: {  	_ =	shalt  }
0x6a: {  	_ =	shalt  }
0x6b: {  	_ =	shalt  }
0x6c: {  	_ =	shalt  }
0x6d: {  	_ =	shalt  }
0x6e: {  	_ =	shalt  }
0x6f: {  	_ =	shalt  }
0x70: {  	_ =	shalt  }
0x71: {  	_ =	shalt  }
0x72: {  	_ =	shalt  }
0x73: {  	_ =	shalt  }
0x74: {  	_ =	shalt  }
0x75: {  	_ =	shalt  }
0x76: {  	_ =	shalt  }
0x77: {  	_ =	shalt  }
0x78: {  	_ =	shalt  }
0x79: {  	_ =	shalt  }
0x7a: {  	_ =	shalt  }
0x7b: {  	_ =	shalt  }
0x7c: {  	_ =	shalt  }
0x7d: {  	_ =	shalt  }
0x7e: {  	_ =	shalt  }
0x7f: {  	_ =	shalt  }
0x80: {  	_ =	shalt  }
0x81: {  	_ =	shalt  }
0x82: {  	_ =	shalt  }
0x83: {  	_ =	shalt  }
0x84: {  	_ =	shalt  }
0x85: {  	_ =	shalt  }
0x86: {  	_ =	shalt  }
0x87: {  	_ =	shalt  }
.Lfunc_end0:
.L_simem_size_0:
called_computation_lowered:
.L_overlay_start_0:
0x88: {  	s2 =	sld [smem:$0x3FD9]  }
0x89: {  	s3 =	sld [smem:$0x3FFE];
	_ =	sdelay $0x1  }
0x8a: {  	s1 =	srdreg.scid  }
0x8b: {  	s0 =	sand.u32 $0x1, s1  }
0x8c: {  	s15 =	sshll.u32 s0, $0xA;
	s2 =	sadd.s32 s3, s2  }
0x8d: {  	s2 =	sadd.s32 s2, s15  }
0x8e: {  	[smem:$0x3FC0] =	sst s2  }
0x8f: {  	_ = 	snop  }
0x90: {  	s2 =	sld [smem:$0x3FD0];
	_ =	sdelay $0x2  }
0x91: {  	s16 =	simm.s32 $0xD;
	s4 =	simm.s32 $0x10  }
0x92: {  	[smem:s4], [sflag:s16] =	dma.local [hbm:s2], $0x1  }
0x93: {  	_ =	swait.eq [sflag:s16], $0x1  }
0x94: {  	[sflag:s16] =	ssyncset.done $0x0  }
0x95: {  	[sflag:s16] =	ssyncadd.s32 $0xFFFFFFFF  }
0x96: {  	s17 =	sld [smem:$0x10];
	(tm) =	ssettm $0x1  }
0x97: {  	s18 =	sld [smem:$0x3FFB];
	_ =	sdelay $0x3  }
0x98: {  	_ =	strace s18  }
0x99: {  	s2 =	sld [smem:$0x3FFC];
	_ =	sdelay $0x3  }
0x9a: {  	_ =	strace s2  }
0x9b: {  	s2 =	sld [smem:$0x3FFD];
	_ =	sdelay $0x3  }
0x9c: {  	_ =	strace s2  }
0x9d: {  	_ =	strace $0x8FFFFFFF  }
0x9e: {  	s19 =	sld [smem:$0x3FDB];
	_ =	sdelay $0x1  }
0x9f: {  	s20 =	simm.s32 $_scs_section_size  }
0xa0: {  	s5 =	simm.s32 $_size__tile_overlayer_lowered;
	s6 =	simm.s32 $_tile_overlayer_lowered  }
0xa1: {  	s7 =	simm.s32 $0x1BFF;
	s21 =	sshll.u32 s6, $0x1;
	s4 =	sadd.s32 s20, s19  }
0xa2: {  	s22 =	simm.s32 $0x0;
	s5 =	sshll.u32 s5, $0x1;
	s6 =	sadd.s32 s21, s4  }
0xa3: {  	[timem:s22], [sflag:s7] =	dma.local [hbm:s6], s5  }
0xa4: {  	_ =	swait.ge [sflag:s7], s5  }
0xa5: {  	s5 =	ssub.s32 $0x0, s5;
	[sflag:s7] =	ssyncset.done $0x0  }
0xa6: {  	[sflag:s7] =	ssyncadd.s32 s5;
	_ =	sdelay $0x1  }
0xa7: {  	s23 =	simm.s32 $0x1B8B  }
0xa8: {  	_ =	swait.ge [sflag:s23], $0x1  }
0xa9: {  	[sflag:s23] =	ssyncset.done $0x0  }
0xaa: {  	[sflag:s23] =	ssyncadd.s32 $0xFFFFFFFF  }
0xab: {  	s5 =	sld [smem:$0x0]  }
0xac: {  	s6 =	sand.u32 $0xFFFFFFFE, s1  }
0xad: {  	p0 =	sne.s32 s1, s6  }
0xae: {  	s6 =	sshll.u32 @p0 s6, $0xE  }
0xaf: {  	s6 =	sadd.s32 @p0 $0x11B8D, s6;
	s7 =	sshll.u32 @p0 s5, $0x11  }
0xb0: {  	s6 =	sor.u32 @p0 s7, s6  }
0xb1: {  	[sflag:s6] =	ssyncadd.remote.s32 @p0 $0x1;
	_ =	sdelay $0x1  }
0xb2: {  	s6 =	simm.s32 @p0 $0x1B8D  }
0xb3: {  	_ =	swait.eq @p0 [sflag:s6], $0x1  }
0xb4: {  	[sflag:s6] =	ssyncadd.s32 @p0 $0xFFFFFFFF  }
0xb5: {  	s7 =	sshll.u32 @!p0 s1, $0xE  }
0xb6: {  	s7 =	sor.u32 @!p0 $0x4000, s7;
	s6 =	simm.s32 @!p0 $0x1B8D  }
0xb7: {  	s5 =	sshll.u32 @!p0 s5, $0x11;
	s7 =	sadd.s32 @!p0 $0x11B8D, s7;
	_ =	swait.eq @!p0 [sflag:s6], $0x1  }
0xb8: {  	s5 =	sor.u32 @!p0 s5, s7;
	[sflag:s6] =	ssyncadd.s32 @!p0 $0xFFFFFFFF  }
0xb9: {  	s25 =	simm.s32 $0x1B8E;
	s24 =	sld [smem:$0x3FFE];
	[sflag:s5] =	ssyncadd.remote.s32 @!p0 $0x1  }
0xba: {  	s26 =	simm.s32 $execute0_lowered;
	[smem:$0x3FD2] =	sst s25  }
0xbb: {  	s6 =	sshll.u32 s26, $0x1;
	_ =	strace $0x8000004F;
	[dreg:$0x1] =	wrdreg $0xFFFFFFFF  }
0xbc: {  	s28 =	simm.s32 $_size_execute0_lowered;
	s4 =	sadd.s32 s4, s6;
	[dreg:$0x0] =	wrdreg $0x0  }
0xbd: {  	s6 =	sshll.u32 s28, $0x1;
	[dreg:$0x2] =	wrdreg s4  }
0xbe: {  	[dreg:$0x3] =	wrdreg s6  }
0xbf: {  	[dreg:$0x4] =	wrdreg $0xC0  }
0xc0: {  	_ =	task [dreg:s22], $0x5FFFF  }
0xc1: {  	[dreg:$0x1] =	wrdreg $0xFFFFFFFF  }
0xc2: {  	[dreg:$0x0] =	wrdreg $0x60  }
0xc3: {  	[dreg:$0x2] =	wrdreg s17  }
0xc4: {  	[dreg:$0x3] =	wrdreg s24  }
0xc5: {  	[dreg:$0x4] =	wrdreg $0x9  }
0xc6: {  	_ =	task.clear_ibuf [dreg:s22], $0x5FFFF;
	_ =	strace $0x9000004F  }
0xc7: {  	s29 =	simm.s32 $0x9;
	_ =	strace $0x80000051  }
0xc8: {  	_ =	swait.ge [sflag:s29], $0x1  }
0xc9: {  	[sflag:s29] =	ssyncadd.s32 $0xFFFFFFFF  }
0xca: {  	_ =	strace $0x90000051  }
0xcb: {  	_ =	sfence  }
0xcc: {  	s30 =	sld [smem:$0x0];
	_ =	sdelay $0x2  }
0xcd: {  	s31 =	sshll.u32 s1, $0xD;
	s1 =	sshrl.u32 s1, $0x2  }
0xce: {  	s4 =	sand.u32 $0x4000, s31;
	s1 =	sadd.s32 s1, s30  }
0xcf: {  	s0 =	sor.u32 s4, s0;
	s1 =	sshll.u32 s1, $0x11  }
0xd0: {  	s0 =	sor.u32 s1, s0  }
0xd1: {  	s0 =	sadd.s32 $0x8F2B, s0  }
0xd2: {  	[sflag:s0] =	ssyncadd.remote.s32 $0x1  }
0xd3: {  	_ =	sfence.sel $0xFFFF  }
0xd4: {  	[dreg:$0x0] =	wrdreg $0xFFFFFFFF;
	(pc) =	sbr.abs _section_cstart, $3  }
0xd5: {  	[dreg:$0x1] =	wrdreg $0xFFFFFFFF  }
0xd6: {  	_ =	task.clear_ibuf [dreg:s22], $0x2FFFF;
	_ =	strace $0x9FFFFFFF  }
0xd7: {  	(tm) =	ssettm $0x7FFFFFFF  }
tec
execute0_lowered:
.L_overlay_start_1:
0x0: {  	(tag) =	ssettag $0x1  }
0x1: {  	s1 =	rddreg [dreg:$0x0]  }
0x2: {  	s4 =	rddreg [dreg:$0x1]  }
0x3: {  	s0 =	rddreg [dreg:$0x2];
	s5 =	srdreg.scid  }
0x4: {  	s3 =	simm.s32 $0x0;
	s2 =	stileid.u32;
	s10 =	simm.s32 $0x0  }
0x5: {  	s5 =	sand.u32 $0x1, s5;
	[smem:$0x7FF] =	sst s3;
	s6 =	sshll.u32 s2, $0xC  }
0x6: {  	s8 =	sshll.u32 s2, $0x10;
	s7 =	sshll.u32 s5, $0xB;
	_ =	strace $0x80000050  }
0x7: {  	s31 =	ssub.s32 $0x2, s5;
	s8 =	sadd.s32 s8, s4;
	s5 =	sshll.u32 s5, $0xF  }
0x8: {  	s6 =	sor.u32 s7, s6;
	s9 =	sshrl.u32 s31, $0x1;
	s5 =	sadd.s32 s5, s8  }
0x9: {  	s8 =	simm.s32 $0x80;
	s6 =	sshrl.u32 s6, $0x3;
	s7 =	ssub.s32 s31, s9  }
0xa: {  	s5 =	sadd.s32 $0x308800, s5;
	s9 =	simm.s32 $0x1;
	s6 =	sadd.s32 s6, s4  }
0xb: {  	s4 =	smax.u32 s7, $0x1;
	s7 =	simm.s32 $0x2;
	s6 =	sadd.s32 $0x306800, s6  }
.LBB2_1:
0xc: {  	s11 =	sadd.s32 $0x0, s6  }
0xd: {  	[tilespmem:s3], [sflag:$0x2] =	stream.linear.gather [hbm4b:s11+s3], $0x80, $0x38;
	[tilespmem:$0x4080] =	vst v63  }
0xe: {  	_ =	swait.ge [sflag:s7], $0x80  }
0xf: {  	[sflag:s7] =	ssyncset.done $0x0  }
0x10: {  	[sflag:s7] =	ssyncadd.s32 $0xFFFFFF80  }
0x11: {  	[tilespmem:s8], [sflag:$0x1] =	stream.indirect.gather [hbm4b:s1+s8], $0x80, s3, s8, $0xb8;
	[tilespmem:$0x4080] =	vst v63  }
0x12: {  	_ =	swait.ge [sflag:s9], $0x4000  }
0x13: {  	[sflag:s9] =	ssyncset.done $0x0  }
0x14: {  	[sflag:s9] =	ssyncadd.s32 $0xFFFFC000  }
0x15: {  	[hbm4b:s5+s3] =	stream.linear.scatter [tilespmem:s8], [sflag:$0x2], $0x4000, $0x38;
	[tilespmem:$0x4080] =	vst v63  }
0x16: {  	s12 =	simm.s32 $0x10;
	_ =	swait.ge [sflag:s7], $0x4000  }
0x17: {  	s13 =	simm.s32 $0x20;
	s11 =	sadd.s32 $0x800, s5;
	[sflag:s7] =	ssyncset.done $0x0  }
.LBB2_2:
0x18: {  	s14 =	sadd.s32 s12, s6  }
0x19: {  	[sflag:s7] =	ssyncadd.s32 $0xFFFFC000;
	s12 =	smov.u32 s13;
	s15 =	sadd.s32 $0x10, s13  }
0x1a: {  	[tilespmem:s3], [sflag:$0x2] =	stream.linear.gather [hbm4b:s14+s3], $0x80, $0x38;
	[tilespmem:$0x4080] =	vst v63  }
0x1b: {  	p0 =	sne.s32 s13, $0xF0;
	_ =	swait.ge [sflag:s7], $0x80  }
0x1c: {  	[sflag:s7] =	ssyncset.done $0x0  }
0x1d: {  	[sflag:s7] =	ssyncadd.s32 $0xFFFFFF80  }
0x1e: {  	[tilespmem:s8], [sflag:$0x1] =	stream.indirect.gather [hbm4b:s1+s8], $0x80, s3, s8, $0xb8;
	[tilespmem:$0x4080] =	vst v63  }
0x1f: {  	_ =	swait.ge [sflag:s9], $0x4000  }
.Ltmp0:
0x20: {  	[sflag:s9] =	ssyncset.done $0x0;
	(pc) =	sbr.rel @p0 .LBB2_2-.Ltmp0, $4  }
0x21: {  	[sflag:s9] =	ssyncadd.s32 $0xFFFFC000  }
0x22: {  	[hbm4b:s11+s3] =	stream.linear.scatter [tilespmem:s8], [sflag:$0x2], $0x4000, $0x38;
	[tilespmem:$0x4080] =	vst v63  }
0x23: {  	_ =	swait.ge [sflag:s7], $0x4000  }
0x24: {  	s13 =	smov.u32 s15;
	s11 =	sadd.s32 $0x800, s11;
	[sflag:s7] =	ssyncset.done $0x0  }
0x25: {  	s12 =	sadd.s32 s12, s6;
	[sflag:s7] =	ssyncadd.s32 $0xFFFFC000  }
0x26: {  	[tilespmem:s3], [sflag:$0x2] =	stream.linear.gather [hbm4b:s12+s3], $0x80, $0x38;
	[tilespmem:$0x4080] =	vst v63  }
0x27: {  	_ =	swait.ge [sflag:s7], $0x80  }
0x28: {  	[sflag:s7] =	ssyncset.done $0x0  }
0x29: {  	[sflag:s7] =	ssyncadd.s32 $0xFFFFFF80  }
0x2a: {  	[tilespmem:s8], [sflag:$0x1] =	stream.indirect.gather [hbm4b:s1+s8], $0x80, s3, s8, $0xb8;
	[tilespmem:$0x4080] =	vst v63  }
0x2b: {  	s10 =	sadd.s32 $0x1, s10;
	_ =	swait.ge [sflag:s9], $0x4000  }
0x2c: {  	p0 =	sne.s32 s10, s4;
	[sflag:s9] =	ssyncset.done $0x0  }
.Ltmp1:
0x2d: {  	[sflag:s9] =	ssyncadd.s32 $0xFFFFC000;
	(pc) =	sbr.rel @p0 .LBB2_1-.Ltmp1, $4  }
0x2e: {  	[hbm4b:s11+s3] =	stream.linear.scatter [tilespmem:s8], [sflag:$0x2], $0x4000, $0x38;
	[tilespmem:$0x4080] =	vst v63  }
0x2f: {  	_ =	swait.ge [sflag:s7], $0x4000  }
0x30: {  	[sflag:s7] =	ssyncset.done $0x0  }
0x31: {  	[sflag:s7] =	ssyncadd.s32 $0xFFFFC000  }
0x32: {  	_ =	sfence.sel $0x180000  }
0x33: {  	[bflag:$0x0] =	sbarrier.arrive $0xFFFF  }
0x34: {  	p0 =	sne.s32 s2, $0x0;
	_ =	strace $0x90000050  }
0x35: {  	s0 =	sadd.s32 @!p0 $0x100000, s0;
	[bflag:$0x2] =	sbarrier.arrive $0xFFFF  }
0x36: {  	[sflag:s0] =	ssyncadd.tile.s32 @!p0 $0x1;
	_ =	shalt  }
.Lfunc_end2:
_tile_overlayer_lowered:
.L_overlay_start_2:
0x37: {  	(tag) =	ssettag $0x2  }
0x38: {  	s0 =	rddreg [dreg:$0x0];
	s2 =	stileid.u32  }
0x39: {  	s1 =	rddreg [dreg:$0x1];
	p0 =	sne.s32 s2, $0x0  }
0x3a: {  	s3 =	rddreg [dreg:$0x2];
	[bflag:$0x3] =	sbarrier.arrive $0xFFFF;
	s2 =	simm.s32 @!p0 $0x1C02  }
0x3b: {  	[timem:s3], [sflag:s2] =	dma.local @!p0 [hbm:s0], s1  }
0x3c: {  	s0 =	simm.s32 @!p0 $0x2  }
0x3d: {  	_ =	swait.ge @!p0 [sflag:s0], s1  }
0x3e: {  	s1 =	ssub.s32 @!p0 $0x0, s1;
	[sflag:s0] =	ssyncset.done @!p0 $0x0  }
0x3f: {  	[sflag:s0] =	ssyncadd.s32 @!p0 s1  }
0x40: {  	[bflag:$0x3] =	sbarrier.arrive $0xFFFF  }
0x41: {  	_ =	shalt  }

// kernel: _cfconv.13.cloned.1.call-start
scs
__scs_entry_jumppad:
0x0: {  	(pc) =	sbr.rel $0x88, $3  }
0x1: {  	(tag) =	ssettag $0x0;
	lr =	simm.s32 $0x1  }
0x2: {  	[smem:$0x3F99] =	sst lr;
	_ =	strace $0xD0000000  }
0x3: {  	_ = 	snop  }
0x4: {  	_ = 	snop  }
0x5: {  	_ = 	snop  }
0x6: {  	_ = 	snop  }
0x7: {  	_ = 	snop  }
__scs_overlays_trampoline_lowered:
0x8: {  	[smem:$0x3FA8] =	sst s0  }
0x9: {  	[smem:$0x3FA9] =	sst s1  }
0xa: {  	[smem:$0x3FAA] =	sst s2  }
0xb: {  	[smem:$0x3FAB] =	sst s3  }
0xc: {  	[smem:$0x3FAC] =	sst s4  }
0xd: {  	[smem:$0x3FAD] =	sst s5  }
0xe: {  	[smem:$0x3FAE] =	sst s6  }
0xf: {  	[smem:$0x3FAF] =	sst s7  }
0x10: {  	[smem:$0x3FB0] =	sst s8  }
0x11: {  	[smem:$0x3FB1] =	sst s9;
	s0 =	simm.s32 @!p0 $0x0  }
0x12: {  	s1 =	sld [smem:$0x3F97];
	s0 =	simm.s32 @p0 $0x1  }
0x13: {  	[smem:$0x3FB2] =	sst s0;
	s0 =	simm.s32 @!p1 $0x0  }
0x14: {  	s2 =	sld [smem:$0x3F96];
	s0 =	simm.s32 @p1 $0x1  }
0x15: {  	[smem:$0x3FB3] =	sst s0;
	s0 =	simm.s32 @!p2 $0x0  }
0x16: {  	s3 =	sld [smem:$0x3FDB];
	s0 =	simm.s32 @p2 $0x1  }
0x17: {  	s4 =	simm.s32 $0x1BF5;
	[smem:$0x3FB5] =	sst s0  }
0x18: {  	s0 =	sld [smem:$0x3F98];
	_ =	swait.ge [sflag:s4], $0x0  }
0x19: {  	s7 =	sld [smem:$0x3F99]  }
0x1a: {  	s8 =	sadd.s32 $0xFFFFE003, lr  }
0x1b: {  	s9 =	sadd.s32 $0xFFFFFEF7, lr;
	s5 =	simm.s32 $0xFFFFFFFF;
	p2 =	slt.u32 s8, $0xFFFFF086  }
0x1c: {  	p1 =	slt.u32 s9, $0xF7A;
	s5 =	simm.s32 @!p2 $0x0  }
0x1d: {  	s5 =	simm.s32 @p1 $0x1;
	p0 =	seq.s32 s7, s2  }
0x1e: {  	s7 =	smul.u32 @!p0 $0xF7A, s2;
	p2 =	seq.s32 @!p0 s5, $0x0  }
0x1f: {  	s9 =	smul.u32 $0xF7A, s1;
	s8 =	simm.s32 @!p0 $0x1BF5;
	p2 =	por !p2, p0  }
0x20: {  	[sflag:s8] =	ssyncset.s32 @!p0 $0xFFFFF086;
	s6 =	sadd.s32 @!p0 s3, s7;
	s7 =	simm.s32 @!p0 $0x108  }
0x21: {  	s3 =	sadd.s32 s3, s9;
	s6 =	sadd.s32 @!p0 $0x88, s6;
	s7 =	simm.s32 @p2 $0x1082  }
0x22: {  	[simem:s7], [sflag:s8] =	dma.local @!p0 [hbm:s6], $0xF7A  }
0x23: {  	s9 =	sor.u32 $0xD0000000, s2;
	s6 =	simm.s32 $0x108;
	_ =	swait.ge @!p0 [sflag:s8], $0x0  }
0x24: {  	s3 =	sadd.s32 $0x88, s3;
	s6 =	simm.s32 @!p1 $0x1082;
	[sflag:s4] =	ssyncset.s32 $0xFFFFF086  }
0x25: {  	[simem:s6], [sflag:s4] =	dma.local [hbm:s3], $0xF7A  }
0x26: {  	[smem:$0x3F99] =	sst s1;
	(tag) =	ssettag s2;
	_ =	strace s9  }
0x27: {  	s1 =	sld [smem:$0x3FA9]  }
0x28: {  	s2 =	sld [smem:$0x3FAA]  }
0x29: {  	s4 =	sld [smem:$0x3FAC]  }
0x2a: {  	p0 =	seq.s32 s5, $0x0;
	s5 =	sld [smem:$0x3FAD]  }
0x2b: {  	s6 =	sld [smem:$0x3FAE]  }
0x2c: {  	s7 =	sld [smem:$0x3FAF]  }
0x2d: {  	s3 =	simm.s32 $0x108;
	s8 =	sld [smem:$0x3FB0]  }
0x2e: {  	s3 =	simm.s32 @!p0 $0x1082;
	s9 =	sld [smem:$0x3FB1]  }
0x2f: {  	lr =	sadd.s32 s0, s3;
	s0 =	sld [smem:$0x3FA8]  }
0x30: {  	s3 =	sld [smem:$0x3FAB]  }
0x31: {  	[smem:$0x3FB4] =	sst s10  }
0x32: {  	s10 =	sld [smem:$0x3FB2];
	_ =	sdelay $0x3  }
0x33: {  	p0 =	seq.s32 s10, $0x1;
	s10 =	sld [smem:$0x3FB4];
	_ =	sdelay $0x3  }
0x34: {  	[smem:$0x3FB4] =	sst s10  }
0x35: {  	s10 =	sld [smem:$0x3FB3];
	_ =	sdelay $0x3  }
0x36: {  	p1 =	seq.s32 s10, $0x1;
	s10 =	sld [smem:$0x3FB4];
	_ =	sdelay $0x3  }
0x37: {  	[smem:$0x3FB4] =	sst s10  }
0x38: {  	s10 =	sld [smem:$0x3FB5]  }
0x39: {  	_ = 	snop;
	(pc) =	sbr.ind lr, $3  }
0x3a: {  	_ = 	snop  }
0x3b: {  	_ = 	snop  }
0x3c: {  	p2 =	seq.s32 s10, $0x1;
	s10 =	sld [smem:$0x3FB4]  }
0x3d: {  	_ =	shalt  }
0x3e: {  	_ =	shalt  }
0x3f: {  	_ =	shalt  }
0x40: {  	_ =	shalt  }
0x41: {  	_ =	shalt  }
0x42: {  	_ =	shalt  }
0x43: {  	_ =	shalt  }
0x44: {  	_ =	shalt  }
0x45: {  	_ =	shalt  }
0x46: {  	_ =	shalt  }
0x47: {  	_ =	shalt  }
0x48: {  	_ =	shalt  }
0x49: {  	_ =	shalt  }
0x4a: {  	_ =	shalt  }
0x4b: {  	_ =	shalt  }
0x4c: {  	_ =	shalt  }
0x4d: {  	_ =	shalt  }
0x4e: {  	_ =	shalt  }
0x4f: {  	_ =	shalt  }
0x50: {  	_ =	shalt  }
0x51: {  	_ =	shalt  }
0x52: {  	_ =	shalt  }
0x53: {  	_ =	shalt  }
0x54: {  	_ =	shalt  }
0x55: {  	_ =	shalt  }
0x56: {  	_ =	shalt  }
0x57: {  	_ =	shalt  }
0x58: {  	_ =	shalt  }
0x59: {  	_ =	shalt  }
0x5a: {  	_ =	shalt  }
0x5b: {  	_ =	shalt  }
0x5c: {  	_ =	shalt  }
0x5d: {  	_ =	shalt  }
0x5e: {  	_ =	shalt  }
0x5f: {  	_ =	shalt  }
0x60: {  	_ =	shalt  }
0x61: {  	_ =	shalt  }
0x62: {  	_ =	shalt  }
0x63: {  	_ =	shalt  }
0x64: {  	_ =	shalt  }
0x65: {  	_ =	shalt  }
0x66: {  	_ =	shalt  }
0x67: {  	_ =	shalt  }
0x68: {  	_ =	shalt  }
0x69: {  	_ =	shalt  }
0x6a: {  	_ =	shalt  }
0x6b: {  	_ =	shalt  }
0x6c: {  	_ =	shalt  }
0x6d: {  	_ =	shalt  }
0x6e: {  	_ =	shalt  }
0x6f: {  	_ =	shalt  }
0x70: {  	_ =	shalt  }
0x71: {  	_ =	shalt  }
0x72: {  	_ =	shalt  }
0x73: {  	_ =	shalt  }
0x74: {  	_ =	shalt  }
0x75: {  	_ =	shalt  }
0x76: {  	_ =	shalt  }
0x77: {  	_ =	shalt  }
0x78: {  	_ =	shalt  }
0x79: {  	_ =	shalt  }
0x7a: {  	_ =	shalt  }
0x7b: {  	_ =	shalt  }
0x7c: {  	_ =	shalt  }
0x7d: {  	_ =	shalt  }
0x7e: {  	_ =	shalt  }
0x7f: {  	_ =	shalt  }
0x80: {  	_ =	shalt  }
0x81: {  	_ =	shalt  }
0x82: {  	_ =	shalt  }
0x83: {  	_ =	shalt  }
0x84: {  	_ =	shalt  }
0x85: {  	_ =	shalt  }
0x86: {  	_ =	shalt  }
0x87: {  	_ =	shalt  }
.Lfunc_end0:
.L_simem_size_0:
called_computation.1_lowered:
.L_overlay_start_0:
0x88: {  	s2 =	sld [smem:$0x3FD9]  }
0x89: {  	s3 =	sld [smem:$0x3FFE];
	_ =	sdelay $0x1  }
0x8a: {  	s1 =	srdreg.scid  }
0x8b: {  	s0 =	sand.u32 $0x1, s1  }
0x8c: {  	s14 =	sshll.u32 s0, $0xA;
	s2 =	sadd.s32 s3, s2  }
0x8d: {  	s2 =	sadd.s32 s2, s14  }
0x8e: {  	[smem:$0x3FC0] =	sst s2  }
0x8f: {  	_ = 	snop  }
0x90: {  	s2 =	sld [smem:$0x3FD0];
	_ =	sdelay $0x2  }
0x91: {  	s15 =	simm.s32 $0xD;
	s4 =	simm.s32 $0x10  }
0x92: {  	[smem:s4], [sflag:s15] =	dma.local [hbm:s2], $0x1  }
0x93: {  	_ =	swait.eq [sflag:s15], $0x1  }
0x94: {  	[sflag:s15] =	ssyncset.done $0x0  }
0x95: {  	s16 =	sld [smem:$0x10];
	[sflag:s15] =	ssyncadd.s32 $0xFFFFFFFF  }
0x96: {  	s17 =	sld [smem:$0x11];
	(tm) =	ssettm $0x1  }
0x97: {  	s18 =	sld [smem:$0x3FFB];
	_ =	sdelay $0x3  }
0x98: {  	_ =	strace s18  }
0x99: {  	s4 =	sld [smem:$0x3FFC];
	_ =	sdelay $0x3  }
0x9a: {  	_ =	strace s4  }
0x9b: {  	s4 =	sld [smem:$0x3FFD];
	_ =	sdelay $0x3  }
0x9c: {  	_ =	strace s4  }
0x9d: {  	_ =	strace $0x8FFFFFFF  }
0x9e: {  	s19 =	sld [smem:$0x3FDB];
	_ =	sdelay $0x1  }
0x9f: {  	s5 =	simm.s32 $_scs_section_size  }
0xa0: {  	s6 =	simm.s32 $_size__tile_overlayer_lowered;
	s7 =	simm.s32 $_tile_overlayer_lowered  }
0xa1: {  	s22 =	simm.s32 $0x1BFF;
	s21 =	sshll.u32 s7, $0x1;
	s4 =	sadd.s32 s5, s19  }
0xa2: {  	s8 =	simm.s32 $0x0;
	s20 =	sshll.u32 s6, $0x1;
	s6 =	sadd.s32 s21, s4  }
0xa3: {  	[timem:s8], [sflag:s22] =	dma.local [hbm:s6], s20  }
0xa4: {  	_ =	swait.ge [sflag:s22], s20  }
0xa5: {  	s5 =	ssub.s32 $0x0, s20;
	[sflag:s22] =	ssyncset.done $0x0  }
0xa6: {  	[sflag:s22] =	ssyncadd.s32 s5;
	_ =	sdelay $0x1  }
0xa7: {  	s23 =	simm.s32 $0x1B8B  }
0xa8: {  	_ =	swait.ge [sflag:s23], $0x1  }
0xa9: {  	[sflag:s23] =	ssyncset.done $0x0  }
0xaa: {  	s25 =	simm.s32 $0x1B8E;
	s24 =	sld [smem:$0x3FFE];
	[sflag:s23] =	ssyncadd.s32 $0xFFFFFFFF  }
0xab: {  	s26 =	simm.s32 $execute0_lowered;
	[smem:$0x3FD2] =	sst s25  }
0xac: {  	s6 =	sshll.u32 s26, $0x1;
	_ =	strace $0x80000046;
	[dreg:$0x1] =	wrdreg $0xFFFFFFFF  }
0xad: {  	s28 =	simm.s32 $_size_execute0_lowered;
	s4 =	sadd.s32 s4, s6;
	[dreg:$0x0] =	wrdreg $0x0  }
0xae: {  	s6 =	sshll.u32 s28, $0x1;
	[dreg:$0x2] =	wrdreg s4  }
0xaf: {  	[dreg:$0x3] =	wrdreg s6  }
0xb0: {  	[dreg:$0x4] =	wrdreg $0xC0  }
0xb1: {  	_ =	task [dreg:s8], $0x5FFFF  }
0xb2: {  	[dreg:$0x1] =	wrdreg $0xFFFFFFFF  }
0xb3: {  	[dreg:$0x0] =	wrdreg $0x60  }
0xb4: {  	[dreg:$0x2] =	wrdreg s16  }
0xb5: {  	[dreg:$0x3] =	wrdreg s17  }
0xb6: {  	[dreg:$0x4] =	wrdreg s24  }
0xb7: {  	[dreg:$0x5] =	wrdreg $0xA  }
0xb8: {  	_ =	task.clear_ibuf [dreg:s8], $0x6FFFF;
	_ =	strace $0x90000046  }
0xb9: {  	s29 =	simm.s32 $0xA;
	_ =	strace $0x80000048  }
0xba: {  	_ =	swait.ge [sflag:s29], $0x1  }
0xbb: {  	[sflag:s29] =	ssyncadd.s32 $0xFFFFFFFF  }
0xbc: {  	_ =	strace $0x90000048  }
0xbd: {  	_ =	sfence  }
0xbe: {  	s30 =	sld [smem:$0x0];
	_ =	sdelay $0x2  }
0xbf: {  	s31 =	sshll.u32 s1, $0xD;
	s1 =	sshrl.u32 s1, $0x2  }
0xc0: {  	s3 =	sand.u32 $0x4000, s31;
	s1 =	sadd.s32 s1, s30  }
0xc1: {  	s0 =	sor.u32 s3, s0;
	s1 =	sshll.u32 s1, $0x11  }
0xc2: {  	s0 =	sor.u32 s1, s0  }
0xc3: {  	s0 =	sadd.s32 $0x8F2B, s0  }
0xc4: {  	[sflag:s0] =	ssyncadd.remote.s32 $0x1  }
0xc5: {  	_ =	sfence.sel $0xFFFF  }
0xc6: {  	[dreg:$0x0] =	wrdreg $0xFFFFFFFF;
	(pc) =	sbr.abs _section_cstart, $3  }
0xc7: {  	[dreg:$0x1] =	wrdreg $0xFFFFFFFF  }
0xc8: {  	_ =	task.clear_ibuf [dreg:s8], $0x2FFFF;
	_ =	strace $0x9FFFFFFF  }
0xc9: {  	(tm) =	ssettm $0x7FFFFFFF  }
tec
execute0_lowered:
.L_overlay_start_1:
0x0: {  	(tag) =	ssettag $0x1  }
0x1: {  	s1 =	rddreg [dreg:$0x0]  }
0x2: {  	s6 =	rddreg [dreg:$0x1]  }
0x3: {  	s4 =	rddreg [dreg:$0x2]  }
0x4: {  	s0 =	rddreg [dreg:$0x3]  }
0x5: {  	s3 =	simm.s32 $0x0;
	s2 =	stileid.u32;
	s5 =	srdreg.scid  }
0x6: {  	[smem:$0x7FF] =	sst s3;
	s7 =	sshll.u32 s2, $0x10;
	s5 =	sand.u32 $0x1, s5  }
0x7: {  	s9 =	sshll.u32 s2, $0xC;
	_ =	strace $0x80000047;
	s7 =	sadd.s32 s7, s4  }
0x8: {  	s29 =	ssub.s32 $0x2, s5;
	s10 =	sshll.u32 s5, $0xB;
	s5 =	sshll.u32 s5, $0xF  }
0x9: {  	s8 =	sshrl.u32 s29, $0x1;
	s30 =	sor.u32 s10, s9;
	s5 =	sadd.s32 s5, s7  }
0xa: {  	s7 =	simm.s32 $0x2;
	s9 =	simm.s32 $0x1;
	s10 =	simm.s32 $0x0  }
0xb: {  	s4 =	ssub.s32 s29, s8;
	s31 =	sshrl.u32 s30, $0x3;
	s5 =	sadd.s32 $0x6800, s5  }
0xc: {  	s8 =	simm.s32 $0x80;
	s4 =	smax.u32 s4, $0x1;
	s6 =	sadd.s32 s31, s6  }
.LBB2_1:
0xd: {  	s11 =	sadd.s32 $0x0, s6  }
0xe: {  	[tilespmem:s3], [sflag:$0x2] =	stream.linear.gather [hbm4b:s11+s3], $0x80, $0x38;
	[tilespmem:$0x4080] =	vst v63  }
0xf: {  	_ =	swait.ge [sflag:s7], $0x80  }
0x10: {  	[sflag:s7] =	ssyncset.done $0x0  }
0x11: {  	[sflag:s7] =	ssyncadd.s32 $0xFFFFFF80  }
0x12: {  	[tilespmem:s8], [sflag:$0x1] =	stream.indirect.gather [hbm4b:s1+s8], $0x80, s3, s8, $0xb8;
	[tilespmem:$0x4080] =	vst v63  }
0x13: {  	_ =	swait.ge [sflag:s9], $0x4000  }
0x14: {  	[sflag:s9] =	ssyncset.done $0x0  }
0x15: {  	[sflag:s9] =	ssyncadd.s32 $0xFFFFC000  }
0x16: {  	[hbm4b:s5+s3] =	stream.linear.scatter [tilespmem:s8], [sflag:$0x2], $0x4000, $0x38;
	[tilespmem:$0x4080] =	vst v63  }
0x17: {  	s12 =	simm.s32 $0x10;
	_ =	swait.ge [sflag:s7], $0x4000  }
0x18: {  	s13 =	simm.s32 $0x20;
	s11 =	sadd.s32 $0x800, s5;
	[sflag:s7] =	ssyncset.done $0x0  }
.LBB2_2:
0x19: {  	s14 =	sadd.s32 s12, s6  }
0x1a: {  	[sflag:s7] =	ssyncadd.s32 $0xFFFFC000;
	s12 =	smov.u32 s13;
	s15 =	sadd.s32 $0x10, s13  }
0x1b: {  	[tilespmem:s3], [sflag:$0x2] =	stream.linear.gather [hbm4b:s14+s3], $0x80, $0x38;
	[tilespmem:$0x4080] =	vst v63  }
0x1c: {  	p0 =	sne.s32 s13, $0xF0;
	_ =	swait.ge [sflag:s7], $0x80  }
0x1d: {  	[sflag:s7] =	ssyncset.done $0x0  }
0x1e: {  	[sflag:s7] =	ssyncadd.s32 $0xFFFFFF80  }
0x1f: {  	[tilespmem:s8], [sflag:$0x1] =	stream.indirect.gather [hbm4b:s1+s8], $0x80, s3, s8, $0xb8;
	[tilespmem:$0x4080] =	vst v63  }
0x20: {  	_ =	swait.ge [sflag:s9], $0x4000  }
.Ltmp0:
0x21: {  	[sflag:s9] =	ssyncset.done $0x0;
	(pc) =	sbr.rel @p0 .LBB2_2-.Ltmp0, $4  }
0x22: {  	[sflag:s9] =	ssyncadd.s32 $0xFFFFC000  }
0x23: {  	[hbm4b:s11+s3] =	stream.linear.scatter [tilespmem:s8], [sflag:$0x2], $0x4000, $0x38;
	[tilespmem:$0x4080] =	vst v63  }
0x24: {  	_ =	swait.ge [sflag:s7], $0x4000  }
0x25: {  	s13 =	smov.u32 s15;
	s11 =	sadd.s32 $0x800, s11;
	[sflag:s7] =	ssyncset.done $0x0  }
0x26: {  	s12 =	sadd.s32 s12, s6;
	[sflag:s7] =	ssyncadd.s32 $0xFFFFC000  }
0x27: {  	[tilespmem:s3], [sflag:$0x2] =	stream.linear.gather [hbm4b:s12+s3], $0x80, $0x38;
	[tilespmem:$0x4080] =	vst v63  }
0x28: {  	_ =	swait.ge [sflag:s7], $0x80  }
0x29: {  	[sflag:s7] =	ssyncset.done $0x0  }
0x2a: {  	[sflag:s7] =	ssyncadd.s32 $0xFFFFFF80  }
0x2b: {  	[tilespmem:s8], [sflag:$0x1] =	stream.indirect.gather [hbm4b:s1+s8], $0x80, s3, s8, $0xb8;
	[tilespmem:$0x4080] =	vst v63  }
0x2c: {  	s10 =	sadd.s32 $0x1, s10;
	_ =	swait.ge [sflag:s9], $0x4000  }
0x2d: {  	p0 =	sne.s32 s10, s4;
	[sflag:s9] =	ssyncset.done $0x0  }
.Ltmp1:
0x2e: {  	[sflag:s9] =	ssyncadd.s32 $0xFFFFC000;
	(pc) =	sbr.rel @p0 .LBB2_1-.Ltmp1, $4  }
0x2f: {  	[hbm4b:s11+s3] =	stream.linear.scatter [tilespmem:s8], [sflag:$0x2], $0x4000, $0x38;
	[tilespmem:$0x4080] =	vst v63  }
0x30: {  	_ =	swait.ge [sflag:s7], $0x4000  }
0x31: {  	[sflag:s7] =	ssyncset.done $0x0  }
0x32: {  	[sflag:s7] =	ssyncadd.s32 $0xFFFFC000  }
0x33: {  	_ =	sfence.sel $0x180000  }
0x34: {  	[bflag:$0x0] =	sbarrier.arrive $0xFFFF  }
0x35: {  	p0 =	sne.s32 s2, $0x0;
	_ =	strace $0x90000047  }
0x36: {  	s0 =	sadd.s32 @!p0 $0x100000, s0;
	[bflag:$0x2] =	sbarrier.arrive $0xFFFF  }
0x37: {  	[sflag:s0] =	ssyncadd.tile.s32 @!p0 $0x1;
	_ =	shalt  }
.Lfunc_end2:
_tile_overlayer_lowered:
.L_overlay_start_2:
0x38: {  	(tag) =	ssettag $0x2  }
0x39: {  	s0 =	rddreg [dreg:$0x0];
	s2 =	stileid.u32  }
0x3a: {  	s1 =	rddreg [dreg:$0x1];
	p0 =	sne.s32 s2, $0x0  }
0x3b: {  	s3 =	rddreg [dreg:$0x2];
	[bflag:$0x3] =	sbarrier.arrive $0xFFFF;
	s2 =	simm.s32 @!p0 $0x1C02  }
0x3c: {  	[timem:s3], [sflag:s2] =	dma.local @!p0 [hbm:s0], s1  }
0x3d: {  	s0 =	simm.s32 @!p0 $0x2  }
0x3e: {  	_ =	swait.ge @!p0 [sflag:s0], s1  }
0x3f: {  	s1 =	ssub.s32 @!p0 $0x0, s1;
	[sflag:s0] =	ssyncset.done @!p0 $0x0  }
0x40: {  	[sflag:s0] =	ssyncadd.s32 @!p0 s1  }
0x41: {  	[bflag:$0x3] =	sbarrier.arrive $0xFFFF  }
0x42: {  	_ =	shalt  }

// kernel: _cfconv.16.cloned.1.call-start
scs
__scs_entry_jumppad:
0x0: {  	(pc) =	sbr.rel $0x88, $3  }
0x1: {  	(tag) =	ssettag $0x0;
	lr =	simm.s32 $0x1  }
0x2: {  	[smem:$0x3F99] =	sst lr;
	_ =	strace $0xD0000000  }
0x3: {  	_ = 	snop  }
0x4: {  	_ = 	snop  }
0x5: {  	_ = 	snop  }
0x6: {  	_ = 	snop  }
0x7: {  	_ = 	snop  }
__scs_overlays_trampoline_lowered:
0x8: {  	[smem:$0x3FA8] =	sst s0  }
0x9: {  	[smem:$0x3FA9] =	sst s1  }
0xa: {  	[smem:$0x3FAA] =	sst s2  }
0xb: {  	[smem:$0x3FAB] =	sst s3  }
0xc: {  	[smem:$0x3FAC] =	sst s4  }
0xd: {  	[smem:$0x3FAD] =	sst s5  }
0xe: {  	[smem:$0x3FAE] =	sst s6  }
0xf: {  	[smem:$0x3FAF] =	sst s7  }
0x10: {  	[smem:$0x3FB0] =	sst s8  }
0x11: {  	[smem:$0x3FB1] =	sst s9;
	s0 =	simm.s32 @!p0 $0x0  }
0x12: {  	s1 =	sld [smem:$0x3F97];
	s0 =	simm.s32 @p0 $0x1  }
0x13: {  	[smem:$0x3FB2] =	sst s0;
	s0 =	simm.s32 @!p1 $0x0  }
0x14: {  	s2 =	sld [smem:$0x3F96];
	s0 =	simm.s32 @p1 $0x1  }
0x15: {  	[smem:$0x3FB3] =	sst s0;
	s0 =	simm.s32 @!p2 $0x0  }
0x16: {  	s3 =	sld [smem:$0x3FDB];
	s0 =	simm.s32 @p2 $0x1  }
0x17: {  	s4 =	simm.s32 $0x1BF5;
	[smem:$0x3FB5] =	sst s0  }
0x18: {  	s0 =	sld [smem:$0x3F98];
	_ =	swait.ge [sflag:s4], $0x0  }
0x19: {  	s7 =	sld [smem:$0x3F99]  }
0x1a: {  	s8 =	sadd.s32 $0xFFFFE003, lr  }
0x1b: {  	s9 =	sadd.s32 $0xFFFFFEF7, lr;
	s5 =	simm.s32 $0xFFFFFFFF;
	p2 =	slt.u32 s8, $0xFFFFF086  }
0x1c: {  	p1 =	slt.u32 s9, $0xF7A;
	s5 =	simm.s32 @!p2 $0x0  }
0x1d: {  	s5 =	simm.s32 @p1 $0x1;
	p0 =	seq.s32 s7, s2  }
0x1e: {  	s7 =	smul.u32 @!p0 $0xF7A, s2;
	p2 =	seq.s32 @!p0 s5, $0x0  }
0x1f: {  	s9 =	smul.u32 $0xF7A, s1;
	s8 =	simm.s32 @!p0 $0x1BF5;
	p2 =	por !p2, p0  }
0x20: {  	[sflag:s8] =	ssyncset.s32 @!p0 $0xFFFFF086;
	s6 =	sadd.s32 @!p0 s3, s7;
	s7 =	simm.s32 @!p0 $0x108  }
0x21: {  	s3 =	sadd.s32 s3, s9;
	s6 =	sadd.s32 @!p0 $0x88, s6;
	s7 =	simm.s32 @p2 $0x1082  }
0x22: {  	[simem:s7], [sflag:s8] =	dma.local @!p0 [hbm:s6], $0xF7A  }
0x23: {  	s9 =	sor.u32 $0xD0000000, s2;
	s6 =	simm.s32 $0x108;
	_ =	swait.ge @!p0 [sflag:s8], $0x0  }
0x24: {  	s3 =	sadd.s32 $0x88, s3;
	s6 =	simm.s32 @!p1 $0x1082;
	[sflag:s4] =	ssyncset.s32 $0xFFFFF086  }
0x25: {  	[simem:s6], [sflag:s4] =	dma.local [hbm:s3], $0xF7A  }
0x26: {  	[smem:$0x3F99] =	sst s1;
	(tag) =	ssettag s2;
	_ =	strace s9  }
0x27: {  	s1 =	sld [smem:$0x3FA9]  }
0x28: {  	s2 =	sld [smem:$0x3FAA]  }
0x29: {  	s4 =	sld [smem:$0x3FAC]  }
0x2a: {  	p0 =	seq.s32 s5, $0x0;
	s5 =	sld [smem:$0x3FAD]  }
0x2b: {  	s6 =	sld [smem:$0x3FAE]  }
0x2c: {  	s7 =	sld [smem:$0x3FAF]  }
0x2d: {  	s3 =	simm.s32 $0x108;
	s8 =	sld [smem:$0x3FB0]  }
0x2e: {  	s3 =	simm.s32 @!p0 $0x1082;
	s9 =	sld [smem:$0x3FB1]  }
0x2f: {  	lr =	sadd.s32 s0, s3;
	s0 =	sld [smem:$0x3FA8]  }
0x30: {  	s3 =	sld [smem:$0x3FAB]  }
0x31: {  	[smem:$0x3FB4] =	sst s10  }
0x32: {  	s10 =	sld [smem:$0x3FB2];
	_ =	sdelay $0x3  }
0x33: {  	p0 =	seq.s32 s10, $0x1;
	s10 =	sld [smem:$0x3FB4];
	_ =	sdelay $0x3  }
0x34: {  	[smem:$0x3FB4] =	sst s10  }
0x35: {  	s10 =	sld [smem:$0x3FB3];
	_ =	sdelay $0x3  }
0x36: {  	p1 =	seq.s32 s10, $0x1;
	s10 =	sld [smem:$0x3FB4];
	_ =	sdelay $0x3  }
0x37: {  	[smem:$0x3FB4] =	sst s10  }
0x38: {  	s10 =	sld [smem:$0x3FB5]  }
0x39: {  	_ = 	snop;
	(pc) =	sbr.ind lr, $3  }
0x3a: {  	_ = 	snop  }
0x3b: {  	_ = 	snop  }
0x3c: {  	p2 =	seq.s32 s10, $0x1;
	s10 =	sld [smem:$0x3FB4]  }
0x3d: {  	_ =	shalt  }
0x3e: {  	_ =	shalt  }
0x3f: {  	_ =	shalt  }
0x40: {  	_ =	shalt  }
0x41: {  	_ =	shalt  }
0x42: {  	_ =	shalt  }
0x43: {  	_ =	shalt  }
0x44: {  	_ =	shalt  }
0x45: {  	_ =	shalt  }
0x46: {  	_ =	shalt  }
0x47: {  	_ =	shalt  }
0x48: {  	_ =	shalt  }
0x49: {  	_ =	shalt  }
0x4a: {  	_ =	shalt  }
0x4b: {  	_ =	shalt  }
0x4c: {  	_ =	shalt  }
0x4d: {  	_ =	shalt  }
0x4e: {  	_ =	shalt  }
0x4f: {  	_ =	shalt  }
0x50: {  	_ =	shalt  }
0x51: {  	_ =	shalt  }
0x52: {  	_ =	shalt  }
0x53: {  	_ =	shalt  }
0x54: {  	_ =	shalt  }
0x55: {  	_ =	shalt  }
0x56: {  	_ =	shalt  }
0x57: {  	_ =	shalt  }
0x58: {  	_ =	shalt  }
0x59: {  	_ =	shalt  }
0x5a: {  	_ =	shalt  }
0x5b: {  	_ =	shalt  }
0x5c: {  	_ =	shalt  }
0x5d: {  	_ =	shalt  }
0x5e: {  	_ =	shalt  }
0x5f: {  	_ =	shalt  }
0x60: {  	_ =	shalt  }
0x61: {  	_ =	shalt  }
0x62: {  	_ =	shalt  }
0x63: {  	_ =	shalt  }
0x64: {  	_ =	shalt  }
0x65: {  	_ =	shalt  }
0x66: {  	_ =	shalt  }
0x67: {  	_ =	shalt  }
0x68: {  	_ =	shalt  }
0x69: {  	_ =	shalt  }
0x6a: {  	_ =	shalt  }
0x6b: {  	_ =	shalt  }
0x6c: {  	_ =	shalt  }
0x6d: {  	_ =	shalt  }
0x6e: {  	_ =	shalt  }
0x6f: {  	_ =	shalt  }
0x70: {  	_ =	shalt  }
0x71: {  	_ =	shalt  }
0x72: {  	_ =	shalt  }
0x73: {  	_ =	shalt  }
0x74: {  	_ =	shalt  }
0x75: {  	_ =	shalt  }
0x76: {  	_ =	shalt  }
0x77: {  	_ =	shalt  }
0x78: {  	_ =	shalt  }
0x79: {  	_ =	shalt  }
0x7a: {  	_ =	shalt  }
0x7b: {  	_ =	shalt  }
0x7c: {  	_ =	shalt  }
0x7d: {  	_ =	shalt  }
0x7e: {  	_ =	shalt  }
0x7f: {  	_ =	shalt  }
0x80: {  	_ =	shalt  }
0x81: {  	_ =	shalt  }
0x82: {  	_ =	shalt  }
0x83: {  	_ =	shalt  }
0x84: {  	_ =	shalt  }
0x85: {  	_ =	shalt  }
0x86: {  	_ =	shalt  }
0x87: {  	_ =	shalt  }
.Lfunc_end0:
.L_simem_size_0:
called_computation.2_lowered:
.L_overlay_start_0:
0x88: {  	s2 =	sld [smem:$0x3FD9]  }
0x89: {  	s3 =	sld [smem:$0x3FFE];
	_ =	sdelay $0x1  }
0x8a: {  	s1 =	srdreg.scid  }
0x8b: {  	s0 =	sand.u32 $0x1, s1  }
0x8c: {  	s15 =	sshll.u32 s0, $0xA;
	s2 =	sadd.s32 s3, s2  }
0x8d: {  	s2 =	sadd.s32 s2, s15  }
0x8e: {  	[smem:$0x3FC0] =	sst s2  }
0x8f: {  	_ = 	snop  }
0x90: {  	s2 =	sld [smem:$0x3FD0];
	_ =	sdelay $0x2  }
0x91: {  	s16 =	simm.s32 $0xD;
	s4 =	simm.s32 $0x10  }
0x92: {  	[smem:s4], [sflag:s16] =	dma.local [hbm:s2], $0x1  }
0x93: {  	_ =	swait.eq [sflag:s16], $0x1  }
0x94: {  	[sflag:s16] =	ssyncset.done $0x0  }
0x95: {  	[sflag:s16] =	ssyncadd.s32 $0xFFFFFFFF  }
0x96: {  	s17 =	sld [smem:$0x10];
	(tm) =	ssettm $0x1  }
0x97: {  	s18 =	sld [smem:$0x3FFB];
	_ =	sdelay $0x3  }
0x98: {  	_ =	strace s18  }
0x99: {  	s2 =	sld [smem:$0x3FFC];
	_ =	sdelay $0x3  }
0x9a: {  	_ =	strace s2  }
0x9b: {  	s2 =	sld [smem:$0x3FFD];
	_ =	sdelay $0x3  }
0x9c: {  	_ =	strace s2  }
0x9d: {  	_ =	strace $0x8FFFFFFF  }
0x9e: {  	s19 =	sld [smem:$0x3FDB];
	_ =	sdelay $0x1  }
0x9f: {  	s20 =	simm.s32 $_scs_section_size  }
0xa0: {  	s5 =	simm.s32 $_size__tile_overlayer_lowered;
	s6 =	simm.s32 $_tile_overlayer_lowered  }
0xa1: {  	s7 =	simm.s32 $0x1BFF;
	s21 =	sshll.u32 s6, $0x1;
	s4 =	sadd.s32 s20, s19  }
0xa2: {  	s22 =	simm.s32 $0x0;
	s5 =	sshll.u32 s5, $0x1;
	s6 =	sadd.s32 s21, s4  }
0xa3: {  	[timem:s22], [sflag:s7] =	dma.local [hbm:s6], s5  }
0xa4: {  	_ =	swait.ge [sflag:s7], s5  }
0xa5: {  	s5 =	ssub.s32 $0x0, s5;
	[sflag:s7] =	ssyncset.done $0x0  }
0xa6: {  	[sflag:s7] =	ssyncadd.s32 s5;
	_ =	sdelay $0x1  }
0xa7: {  	s23 =	simm.s32 $0x1B8B  }
0xa8: {  	_ =	swait.ge [sflag:s23], $0x1  }
0xa9: {  	[sflag:s23] =	ssyncset.done $0x0  }
0xaa: {  	[sflag:s23] =	ssyncadd.s32 $0xFFFFFFFF  }
0xab: {  	s5 =	sld [smem:$0x0]  }
0xac: {  	s6 =	sand.u32 $0xFFFFFFFE, s1  }
0xad: {  	p0 =	sne.s32 s1, s6  }
0xae: {  	s6 =	sshll.u32 @p0 s6, $0xE  }
0xaf: {  	s6 =	sadd.s32 @p0 $0x11B8D, s6;
	s7 =	sshll.u32 @p0 s5, $0x11  }
0xb0: {  	s6 =	sor.u32 @p0 s7, s6  }
0xb1: {  	[sflag:s6] =	ssyncadd.remote.s32 @p0 $0x1;
	_ =	sdelay $0x1  }
0xb2: {  	s6 =	simm.s32 @p0 $0x1B8D  }
0xb3: {  	_ =	swait.eq @p0 [sflag:s6], $0x1  }
0xb4: {  	[sflag:s6] =	ssyncadd.s32 @p0 $0xFFFFFFFF  }
0xb5: {  	s7 =	sshll.u32 @!p0 s1, $0xE  }
0xb6: {  	s7 =	sor.u32 @!p0 $0x4000, s7;
	s6 =	simm.s32 @!p0 $0x1B8D  }
0xb7: {  	s5 =	sshll.u32 @!p0 s5, $0x11;
	s7 =	sadd.s32 @!p0 $0x11B8D, s7;
	_ =	swait.eq @!p0 [sflag:s6], $0x1  }
0xb8: {  	s5 =	sor.u32 @!p0 s5, s7;
	[sflag:s6] =	ssyncadd.s32 @!p0 $0xFFFFFFFF  }
0xb9: {  	s25 =	simm.s32 $0x1B8E;
	s24 =	sld [smem:$0x3FFE];
	[sflag:s5] =	ssyncadd.remote.s32 @!p0 $0x1  }
0xba: {  	s26 =	simm.s32 $execute0_lowered;
	[smem:$0x3FD2] =	sst s25  }
0xbb: {  	s6 =	sshll.u32 s26, $0x1;
	_ =	strace $0x80000049;
	[dreg:$0x1] =	wrdreg $0xFFFFFFFF  }
0xbc: {  	s28 =	simm.s32 $_size_execute0_lowered;
	s4 =	sadd.s32 s4, s6;
	[dreg:$0x0] =	wrdreg $0x0  }
0xbd: {  	s6 =	sshll.u32 s28, $0x1;
	[dreg:$0x2] =	wrdreg s4  }
0xbe: {  	[dreg:$0x3] =	wrdreg s6  }
0xbf: {  	[dreg:$0x4] =	wrdreg $0xC0  }
0xc0: {  	_ =	task [dreg:s22], $0x5FFFF  }
0xc1: {  	[dreg:$0x1] =	wrdreg $0xFFFFFFFF  }
0xc2: {  	[dreg:$0x0] =	wrdreg $0x60  }
0xc3: {  	[dreg:$0x2] =	wrdreg s17  }
0xc4: {  	[dreg:$0x3] =	wrdreg s24  }
0xc5: {  	[dreg:$0x4] =	wrdreg $0xB  }
0xc6: {  	_ =	task.clear_ibuf [dreg:s22], $0x5FFFF;
	_ =	strace $0x90000049  }
0xc7: {  	s29 =	simm.s32 $0xB;
	_ =	strace $0x8000004B  }
0xc8: {  	_ =	swait.ge [sflag:s29], $0x1  }
0xc9: {  	[sflag:s29] =	ssyncadd.s32 $0xFFFFFFFF  }
0xca: {  	_ =	strace $0x9000004B  }
0xcb: {  	_ =	sfence  }
0xcc: {  	s30 =	sld [smem:$0x0];
	_ =	sdelay $0x2  }
0xcd: {  	s31 =	sshll.u32 s1, $0xD;
	s1 =	sshrl.u32 s1, $0x2  }
0xce: {  	s4 =	sand.u32 $0x4000, s31;
	s1 =	sadd.s32 s1, s30  }
0xcf: {  	s0 =	sor.u32 s4, s0;
	s1 =	sshll.u32 s1, $0x11  }
0xd0: {  	s0 =	sor.u32 s1, s0  }
0xd1: {  	s0 =	sadd.s32 $0x8F2B, s0  }
0xd2: {  	[sflag:s0] =	ssyncadd.remote.s32 $0x1  }
0xd3: {  	_ =	sfence.sel $0xFFFF  }
0xd4: {  	[dreg:$0x0] =	wrdreg $0xFFFFFFFF;
	(pc) =	sbr.abs _section_cstart, $3  }
0xd5: {  	[dreg:$0x1] =	wrdreg $0xFFFFFFFF  }
0xd6: {  	_ =	task.clear_ibuf [dreg:s22], $0x2FFFF;
	_ =	strace $0x9FFFFFFF  }
0xd7: {  	(tm) =	ssettm $0x7FFFFFFF  }
tec
execute0_lowered:
.L_overlay_start_1:
0x0: {  	(tag) =	ssettag $0x1  }
0x1: {  	s1 =	rddreg [dreg:$0x0]  }
0x2: {  	s4 =	rddreg [dreg:$0x1]  }
0x3: {  	s0 =	rddreg [dreg:$0x2];
	s5 =	srdreg.scid  }
0x4: {  	s3 =	simm.s32 $0x0;
	s2 =	stileid.u32;
	s10 =	simm.s32 $0x0  }
0x5: {  	s5 =	sand.u32 $0x1, s5;
	[smem:$0x7FF] =	sst s3;
	s6 =	sshll.u32 s2, $0xC  }
0x6: {  	s8 =	sshll.u32 s2, $0x10;
	s7 =	sshll.u32 s5, $0xB;
	_ =	strace $0x8000004A  }
0x7: {  	s31 =	ssub.s32 $0x2, s5;
	s8 =	sadd.s32 s8, s4;
	s5 =	sshll.u32 s5, $0xF  }
0x8: {  	s6 =	sor.u32 s7, s6;
	s9 =	sshrl.u32 s31, $0x1;
	s5 =	sadd.s32 s5, s8  }
0x9: {  	s8 =	simm.s32 $0x80;
	s6 =	sshrl.u32 s6, $0x3;
	s7 =	ssub.s32 s31, s9  }
0xa: {  	s5 =	sadd.s32 $0x106800, s5;
	s9 =	simm.s32 $0x1;
	s6 =	sadd.s32 s6, s4  }
0xb: {  	s4 =	smax.u32 s7, $0x1;
	s7 =	simm.s32 $0x2;
	s6 =	sadd.s32 $0x2800, s6  }
.LBB2_1:
0xc: {  	s11 =	sadd.s32 $0x0, s6  }
0xd: {  	[tilespmem:s3], [sflag:$0x2] =	stream.linear.gather [hbm4b:s11+s3], $0x80, $0x38;
	[tilespmem:$0x4080] =	vst v63  }
0xe: {  	_ =	swait.ge [sflag:s7], $0x80  }
0xf: {  	[sflag:s7] =	ssyncset.done $0x0  }
0x10: {  	[sflag:s7] =	ssyncadd.s32 $0xFFFFFF80  }
0x11: {  	[tilespmem:s8], [sflag:$0x1] =	stream.indirect.gather [hbm4b:s1+s8], $0x80, s3, s8, $0xb8;
	[tilespmem:$0x4080] =	vst v63  }
0x12: {  	_ =	swait.ge [sflag:s9], $0x4000  }
0x13: {  	[sflag:s9] =	ssyncset.done $0x0  }
0x14: {  	[sflag:s9] =	ssyncadd.s32 $0xFFFFC000  }
0x15: {  	[hbm4b:s5+s3] =	stream.linear.scatter [tilespmem:s8], [sflag:$0x2], $0x4000, $0x38;
	[tilespmem:$0x4080] =	vst v63  }
0x16: {  	s12 =	simm.s32 $0x10;
	_ =	swait.ge [sflag:s7], $0x4000  }
0x17: {  	s13 =	simm.s32 $0x20;
	s11 =	sadd.s32 $0x800, s5;
	[sflag:s7] =	ssyncset.done $0x0  }
.LBB2_2:
0x18: {  	s14 =	sadd.s32 s12, s6  }
0x19: {  	[sflag:s7] =	ssyncadd.s32 $0xFFFFC000;
	s12 =	smov.u32 s13;
	s15 =	sadd.s32 $0x10, s13  }
0x1a: {  	[tilespmem:s3], [sflag:$0x2] =	stream.linear.gather [hbm4b:s14+s3], $0x80, $0x38;
	[tilespmem:$0x4080] =	vst v63  }
0x1b: {  	p0 =	sne.s32 s13, $0xF0;
	_ =	swait.ge [sflag:s7], $0x80  }
0x1c: {  	[sflag:s7] =	ssyncset.done $0x0  }
0x1d: {  	[sflag:s7] =	ssyncadd.s32 $0xFFFFFF80  }
0x1e: {  	[tilespmem:s8], [sflag:$0x1] =	stream.indirect.gather [hbm4b:s1+s8], $0x80, s3, s8, $0xb8;
	[tilespmem:$0x4080] =	vst v63  }
0x1f: {  	_ =	swait.ge [sflag:s9], $0x4000  }
.Ltmp0:
0x20: {  	[sflag:s9] =	ssyncset.done $0x0;
	(pc) =	sbr.rel @p0 .LBB2_2-.Ltmp0, $4  }
0x21: {  	[sflag:s9] =	ssyncadd.s32 $0xFFFFC000  }
0x22: {  	[hbm4b:s11+s3] =	stream.linear.scatter [tilespmem:s8], [sflag:$0x2], $0x4000, $0x38;
	[tilespmem:$0x4080] =	vst v63  }
0x23: {  	_ =	swait.ge [sflag:s7], $0x4000  }
0x24: {  	s13 =	smov.u32 s15;
	s11 =	sadd.s32 $0x800, s11;
	[sflag:s7] =	ssyncset.done $0x0  }
0x25: {  	s12 =	sadd.s32 s12, s6;
	[sflag:s7] =	ssyncadd.s32 $0xFFFFC000  }
0x26: {  	[tilespmem:s3], [sflag:$0x2] =	stream.linear.gather [hbm4b:s12+s3], $0x80, $0x38;
	[tilespmem:$0x4080] =	vst v63  }
0x27: {  	_ =	swait.ge [sflag:s7], $0x80  }
0x28: {  	[sflag:s7] =	ssyncset.done $0x0  }
0x29: {  	[sflag:s7] =	ssyncadd.s32 $0xFFFFFF80  }
0x2a: {  	[tilespmem:s8], [sflag:$0x1] =	stream.indirect.gather [hbm4b:s1+s8], $0x80, s3, s8, $0xb8;
	[tilespmem:$0x4080] =	vst v63  }
0x2b: {  	s10 =	sadd.s32 $0x1, s10;
	_ =	swait.ge [sflag:s9], $0x4000  }
0x2c: {  	p0 =	sne.s32 s10, s4;
	[sflag:s9] =	ssyncset.done $0x0  }
.Ltmp1:
0x2d: {  	[sflag:s9] =	ssyncadd.s32 $0xFFFFC000;
	(pc) =	sbr.rel @p0 .LBB2_1-.Ltmp1, $4  }
0x2e: {  	[hbm4b:s11+s3] =	stream.linear.scatter [tilespmem:s8], [sflag:$0x2], $0x4000, $0x38;
	[tilespmem:$0x4080] =	vst v63  }
0x2f: {  	_ =	swait.ge [sflag:s7], $0x4000  }
0x30: {  	[sflag:s7] =	ssyncset.done $0x0  }
0x31: {  	[sflag:s7] =	ssyncadd.s32 $0xFFFFC000  }
0x32: {  	_ =	sfence.sel $0x180000  }
0x33: {  	[bflag:$0x0] =	sbarrier.arrive $0xFFFF  }
0x34: {  	p0 =	sne.s32 s2, $0x0;
	_ =	strace $0x9000004A  }
0x35: {  	s0 =	sadd.s32 @!p0 $0x100000, s0;
	[bflag:$0x2] =	sbarrier.arrive $0xFFFF  }
0x36: {  	[sflag:s0] =	ssyncadd.tile.s32 @!p0 $0x1;
	_ =	shalt  }
.Lfunc_end2:
_tile_overlayer_lowered:
.L_overlay_start_2:
0x37: {  	(tag) =	ssettag $0x2  }
0x38: {  	s0 =	rddreg [dreg:$0x0];
	s2 =	stileid.u32  }
0x39: {  	s1 =	rddreg [dreg:$0x1];
	p0 =	sne.s32 s2, $0x0  }
0x3a: {  	s3 =	rddreg [dreg:$0x2];
	[bflag:$0x3] =	sbarrier.arrive $0xFFFF;
	s2 =	simm.s32 @!p0 $0x1C02  }
0x3b: {  	[timem:s3], [sflag:s2] =	dma.local @!p0 [hbm:s0], s1  }
0x3c: {  	s0 =	simm.s32 @!p0 $0x2  }
0x3d: {  	_ =	swait.ge @!p0 [sflag:s0], s1  }
0x3e: {  	s1 =	ssub.s32 @!p0 $0x0, s1;
	[sflag:s0] =	ssyncset.done @!p0 $0x0  }
0x3f: {  	[sflag:s0] =	ssyncadd.s32 @!p0 s1  }
0x40: {  	[bflag:$0x3] =	sbarrier.arrive $0xFFFF  }
0x41: {  	_ =	shalt  }

// kernel: _cfconv.19.cloned.1.call-start
scs
__scs_entry_jumppad:
0x0: {  	(pc) =	sbr.rel $0x88, $3  }
0x1: {  	(tag) =	ssettag $0x0;
	lr =	simm.s32 $0x1  }
0x2: {  	[smem:$0x3F99] =	sst lr;
	_ =	strace $0xD0000000  }
0x3: {  	_ = 	snop  }
0x4: {  	_ = 	snop  }
0x5: {  	_ = 	snop  }
0x6: {  	_ = 	snop  }
0x7: {  	_ = 	snop  }
__scs_overlays_trampoline_lowered:
0x8: {  	[smem:$0x3FA8] =	sst s0  }
0x9: {  	[smem:$0x3FA9] =	sst s1  }
0xa: {  	[smem:$0x3FAA] =	sst s2  }
0xb: {  	[smem:$0x3FAB] =	sst s3  }
0xc: {  	[smem:$0x3FAC] =	sst s4  }
0xd: {  	[smem:$0x3FAD] =	sst s5  }
0xe: {  	[smem:$0x3FAE] =	sst s6  }
0xf: {  	[smem:$0x3FAF] =	sst s7  }
0x10: {  	[smem:$0x3FB0] =	sst s8  }
0x11: {  	[smem:$0x3FB1] =	sst s9;
	s0 =	simm.s32 @!p0 $0x0  }
0x12: {  	s1 =	sld [smem:$0x3F97];
	s0 =	simm.s32 @p0 $0x1  }
0x13: {  	[smem:$0x3FB2] =	sst s0;
	s0 =	simm.s32 @!p1 $0x0  }
0x14: {  	s2 =	sld [smem:$0x3F96];
	s0 =	simm.s32 @p1 $0x1  }
0x15: {  	[smem:$0x3FB3] =	sst s0;
	s0 =	simm.s32 @!p2 $0x0  }
0x16: {  	s3 =	sld [smem:$0x3FDB];
	s0 =	simm.s32 @p2 $0x1  }
0x17: {  	s4 =	simm.s32 $0x1BF5;
	[smem:$0x3FB5] =	sst s0  }
0x18: {  	s0 =	sld [smem:$0x3F98];
	_ =	swait.ge [sflag:s4], $0x0  }
0x19: {  	s7 =	sld [smem:$0x3F99]  }
0x1a: {  	s8 =	sadd.s32 $0xFFFFE003, lr  }
0x1b: {  	s9 =	sadd.s32 $0xFFFFFEF7, lr;
	s5 =	simm.s32 $0xFFFFFFFF;
	p2 =	slt.u32 s8, $0xFFFFF086  }
0x1c: {  	p1 =	slt.u32 s9, $0xF7A;
	s5 =	simm.s32 @!p2 $0x0  }
0x1d: {  	s5 =	simm.s32 @p1 $0x1;
	p0 =	seq.s32 s7, s2  }
0x1e: {  	s7 =	smul.u32 @!p0 $0xF7A, s2;
	p2 =	seq.s32 @!p0 s5, $0x0  }
0x1f: {  	s9 =	smul.u32 $0xF7A, s1;
	s8 =	simm.s32 @!p0 $0x1BF5;
	p2 =	por !p2, p0  }
0x20: {  	[sflag:s8] =	ssyncset.s32 @!p0 $0xFFFFF086;
	s6 =	sadd.s32 @!p0 s3, s7;
	s7 =	simm.s32 @!p0 $0x108  }
0x21: {  	s3 =	sadd.s32 s3, s9;
	s6 =	sadd.s32 @!p0 $0x88, s6;
	s7 =	simm.s32 @p2 $0x1082  }
0x22: {  	[simem:s7], [sflag:s8] =	dma.local @!p0 [hbm:s6], $0xF7A  }
0x23: {  	s9 =	sor.u32 $0xD0000000, s2;
	s6 =	simm.s32 $0x108;
	_ =	swait.ge @!p0 [sflag:s8], $0x0  }
0x24: {  	s3 =	sadd.s32 $0x88, s3;
	s6 =	simm.s32 @!p1 $0x1082;
	[sflag:s4] =	ssyncset.s32 $0xFFFFF086  }
0x25: {  	[simem:s6], [sflag:s4] =	dma.local [hbm:s3], $0xF7A  }
0x26: {  	[smem:$0x3F99] =	sst s1;
	(tag) =	ssettag s2;
	_ =	strace s9  }
0x27: {  	s1 =	sld [smem:$0x3FA9]  }
0x28: {  	s2 =	sld [smem:$0x3FAA]  }
0x29: {  	s4 =	sld [smem:$0x3FAC]  }
0x2a: {  	p0 =	seq.s32 s5, $0x0;
	s5 =	sld [smem:$0x3FAD]  }
0x2b: {  	s6 =	sld [smem:$0x3FAE]  }
0x2c: {  	s7 =	sld [smem:$0x3FAF]  }
0x2d: {  	s3 =	simm.s32 $0x108;
	s8 =	sld [smem:$0x3FB0]  }
0x2e: {  	s3 =	simm.s32 @!p0 $0x1082;
	s9 =	sld [smem:$0x3FB1]  }
0x2f: {  	lr =	sadd.s32 s0, s3;
	s0 =	sld [smem:$0x3FA8]  }
0x30: {  	s3 =	sld [smem:$0x3FAB]  }
0x31: {  	[smem:$0x3FB4] =	sst s10  }
0x32: {  	s10 =	sld [smem:$0x3FB2];
	_ =	sdelay $0x3  }
0x33: {  	p0 =	seq.s32 s10, $0x1;
	s10 =	sld [smem:$0x3FB4];
	_ =	sdelay $0x3  }
0x34: {  	[smem:$0x3FB4] =	sst s10  }
0x35: {  	s10 =	sld [smem:$0x3FB3];
	_ =	sdelay $0x3  }
0x36: {  	p1 =	seq.s32 s10, $0x1;
	s10 =	sld [smem:$0x3FB4];
	_ =	sdelay $0x3  }
0x37: {  	[smem:$0x3FB4] =	sst s10  }
0x38: {  	s10 =	sld [smem:$0x3FB5]  }
0x39: {  	_ = 	snop;
	(pc) =	sbr.ind lr, $3  }
0x3a: {  	_ = 	snop  }
0x3b: {  	_ = 	snop  }
0x3c: {  	p2 =	seq.s32 s10, $0x1;
	s10 =	sld [smem:$0x3FB4]  }
0x3d: {  	_ =	shalt  }
0x3e: {  	_ =	shalt  }
0x3f: {  	_ =	shalt  }
0x40: {  	_ =	shalt  }
0x41: {  	_ =	shalt  }
0x42: {  	_ =	shalt  }
0x43: {  	_ =	shalt  }
0x44: {  	_ =	shalt  }
0x45: {  	_ =	shalt  }
0x46: {  	_ =	shalt  }
0x47: {  	_ =	shalt  }
0x48: {  	_ =	shalt  }
0x49: {  	_ =	shalt  }
0x4a: {  	_ =	shalt  }
0x4b: {  	_ =	shalt  }
0x4c: {  	_ =	shalt  }
0x4d: {  	_ =	shalt  }
0x4e: {  	_ =	shalt  }
0x4f: {  	_ =	shalt  }
0x50: {  	_ =	shalt  }
0x51: {  	_ =	shalt  }
0x52: {  	_ =	shalt  }
0x53: {  	_ =	shalt  }
0x54: {  	_ =	shalt  }
0x55: {  	_ =	shalt  }
0x56: {  	_ =	shalt  }
0x57: {  	_ =	shalt  }
0x58: {  	_ =	shalt  }
0x59: {  	_ =	shalt  }
0x5a: {  	_ =	shalt  }
0x5b: {  	_ =	shalt  }
0x5c: {  	_ =	shalt  }
0x5d: {  	_ =	shalt  }
0x5e: {  	_ =	shalt  }
0x5f: {  	_ =	shalt  }
0x60: {  	_ =	shalt  }
0x61: {  	_ =	shalt  }
0x62: {  	_ =	shalt  }
0x63: {  	_ =	shalt  }
0x64: {  	_ =	shalt  }
0x65: {  	_ =	shalt  }
0x66: {  	_ =	shalt  }
0x67: {  	_ =	shalt  }
0x68: {  	_ =	shalt  }
0x69: {  	_ =	shalt  }
0x6a: {  	_ =	shalt  }
0x6b: {  	_ =	shalt  }
0x6c: {  	_ =	shalt  }
0x6d: {  	_ =	shalt  }
0x6e: {  	_ =	shalt  }
0x6f: {  	_ =	shalt  }
0x70: {  	_ =	shalt  }
0x71: {  	_ =	shalt  }
0x72: {  	_ =	shalt  }
0x73: {  	_ =	shalt  }
0x74: {  	_ =	shalt  }
0x75: {  	_ =	shalt  }
0x76: {  	_ =	shalt  }
0x77: {  	_ =	shalt  }
0x78: {  	_ =	shalt  }
0x79: {  	_ =	shalt  }
0x7a: {  	_ =	shalt  }
0x7b: {  	_ =	shalt  }
0x7c: {  	_ =	shalt  }
0x7d: {  	_ =	shalt  }
0x7e: {  	_ =	shalt  }
0x7f: {  	_ =	shalt  }
0x80: {  	_ =	shalt  }
0x81: {  	_ =	shalt  }
0x82: {  	_ =	shalt  }
0x83: {  	_ =	shalt  }
0x84: {  	_ =	shalt  }
0x85: {  	_ =	shalt  }
0x86: {  	_ =	shalt  }
0x87: {  	_ =	shalt  }
.Lfunc_end0:
.L_simem_size_0:
called_computation.3_lowered:
.L_overlay_start_0:
0x88: {  	s2 =	sld [smem:$0x3FD9]  }
0x89: {  	s3 =	sld [smem:$0x3FFE];
	_ =	sdelay $0x1  }
0x8a: {  	s1 =	srdreg.scid  }
0x8b: {  	s0 =	sand.u32 $0x1, s1  }
0x8c: {  	s15 =	sshll.u32 s0, $0xA;
	s2 =	sadd.s32 s3, s2  }
0x8d: {  	s2 =	sadd.s32 s2, s15  }
0x8e: {  	[smem:$0x3FC0] =	sst s2  }
0x8f: {  	_ = 	snop  }
0x90: {  	s2 =	sld [smem:$0x3FD0];
	_ =	sdelay $0x2  }
0x91: {  	s16 =	simm.s32 $0xD;
	s4 =	simm.s32 $0x10  }
0x92: {  	[smem:s4], [sflag:s16] =	dma.local [hbm:s2], $0x1  }
0x93: {  	_ =	swait.eq [sflag:s16], $0x1  }
0x94: {  	[sflag:s16] =	ssyncset.done $0x0  }
0x95: {  	[sflag:s16] =	ssyncadd.s32 $0xFFFFFFFF  }
0x96: {  	s17 =	sld [smem:$0x10];
	(tm) =	ssettm $0x1  }
0x97: {  	s18 =	sld [smem:$0x3FFB];
	_ =	sdelay $0x3  }
0x98: {  	_ =	strace s18  }
0x99: {  	s2 =	sld [smem:$0x3FFC];
	_ =	sdelay $0x3  }
0x9a: {  	_ =	strace s2  }
0x9b: {  	s2 =	sld [smem:$0x3FFD];
	_ =	sdelay $0x3  }
0x9c: {  	_ =	strace s2  }
0x9d: {  	_ =	strace $0x8FFFFFFF  }
0x9e: {  	s19 =	sld [smem:$0x3FDB];
	_ =	sdelay $0x1  }
0x9f: {  	s20 =	simm.s32 $_scs_section_size  }
0xa0: {  	s5 =	simm.s32 $_size__tile_overlayer_lowered;
	s6 =	simm.s32 $_tile_overlayer_lowered  }
0xa1: {  	s7 =	simm.s32 $0x1BFF;
	s21 =	sshll.u32 s6, $0x1;
	s4 =	sadd.s32 s20, s19  }
0xa2: {  	s22 =	simm.s32 $0x0;
	s5 =	sshll.u32 s5, $0x1;
	s6 =	sadd.s32 s21, s4  }
0xa3: {  	[timem:s22], [sflag:s7] =	dma.local [hbm:s6], s5  }
0xa4: {  	_ =	swait.ge [sflag:s7], s5  }
0xa5: {  	s5 =	ssub.s32 $0x0, s5;
	[sflag:s7] =	ssyncset.done $0x0  }
0xa6: {  	[sflag:s7] =	ssyncadd.s32 s5;
	_ =	sdelay $0x1  }
0xa7: {  	s23 =	simm.s32 $0x1B8B  }
0xa8: {  	_ =	swait.ge [sflag:s23], $0x1  }
0xa9: {  	[sflag:s23] =	ssyncset.done $0x0  }
0xaa: {  	[sflag:s23] =	ssyncadd.s32 $0xFFFFFFFF  }
0xab: {  	s5 =	sld [smem:$0x0]  }
0xac: {  	s6 =	sand.u32 $0xFFFFFFFE, s1  }
0xad: {  	p0 =	sne.s32 s1, s6  }
0xae: {  	s6 =	sshll.u32 @p0 s6, $0xE  }
0xaf: {  	s6 =	sadd.s32 @p0 $0x11B8D, s6;
	s7 =	sshll.u32 @p0 s5, $0x11  }
0xb0: {  	s6 =	sor.u32 @p0 s7, s6  }
0xb1: {  	[sflag:s6] =	ssyncadd.remote.s32 @p0 $0x1;
	_ =	sdelay $0x1  }
0xb2: {  	s6 =	simm.s32 @p0 $0x1B8D  }
0xb3: {  	_ =	swait.eq @p0 [sflag:s6], $0x1  }
0xb4: {  	[sflag:s6] =	ssyncadd.s32 @p0 $0xFFFFFFFF  }
0xb5: {  	s7 =	sshll.u32 @!p0 s1, $0xE  }
0xb6: {  	s7 =	sor.u32 @!p0 $0x4000, s7;
	s6 =	simm.s32 @!p0 $0x1B8D  }
0xb7: {  	s5 =	sshll.u32 @!p0 s5, $0x11;
	s7 =	sadd.s32 @!p0 $0x11B8D, s7;
	_ =	swait.eq @!p0 [sflag:s6], $0x1  }
0xb8: {  	s5 =	sor.u32 @!p0 s5, s7;
	[sflag:s6] =	ssyncadd.s32 @!p0 $0xFFFFFFFF  }
0xb9: {  	s25 =	simm.s32 $0x1B8E;
	s24 =	sld [smem:$0x3FFE];
	[sflag:s5] =	ssyncadd.remote.s32 @!p0 $0x1  }
0xba: {  	s26 =	simm.s32 $execute0_lowered;
	[smem:$0x3FD2] =	sst s25  }
0xbb: {  	s6 =	sshll.u32 s26, $0x1;
	_ =	strace $0x8000004C;
	[dreg:$0x1] =	wrdreg $0xFFFFFFFF  }
0xbc: {  	s28 =	simm.s32 $_size_execute0_lowered;
	s4 =	sadd.s32 s4, s6;
	[dreg:$0x0] =	wrdreg $0x0  }
0xbd: {  	s6 =	sshll.u32 s28, $0x1;
	[dreg:$0x2] =	wrdreg s4  }
0xbe: {  	[dreg:$0x3] =	wrdreg s6  }
0xbf: {  	[dreg:$0x4] =	wrdreg $0xC0  }
0xc0: {  	_ =	task [dreg:s22], $0x5FFFF  }
0xc1: {  	[dreg:$0x1] =	wrdreg $0xFFFFFFFF  }
0xc2: {  	[dreg:$0x0] =	wrdreg $0x60  }
0xc3: {  	[dreg:$0x2] =	wrdreg s17  }
0xc4: {  	[dreg:$0x3] =	wrdreg s24  }
0xc5: {  	[dreg:$0x4] =	wrdreg $0xC  }
0xc6: {  	_ =	task.clear_ibuf [dreg:s22], $0x5FFFF;
	_ =	strace $0x9000004C  }
0xc7: {  	s29 =	simm.s32 $0xC;
	_ =	strace $0x8000004E  }
0xc8: {  	_ =	swait.ge [sflag:s29], $0x1  }
0xc9: {  	[sflag:s29] =	ssyncadd.s32 $0xFFFFFFFF  }
0xca: {  	_ =	strace $0x9000004E  }
0xcb: {  	_ =	sfence  }
0xcc: {  	s30 =	sld [smem:$0x0];
	_ =	sdelay $0x2  }
0xcd: {  	s31 =	sshll.u32 s1, $0xD;
	s1 =	sshrl.u32 s1, $0x2  }
0xce: {  	s4 =	sand.u32 $0x4000, s31;
	s1 =	sadd.s32 s1, s30  }
0xcf: {  	s0 =	sor.u32 s4, s0;
	s1 =	sshll.u32 s1, $0x11  }
0xd0: {  	s0 =	sor.u32 s1, s0  }
0xd1: {  	s0 =	sadd.s32 $0x8F2B, s0  }
0xd2: {  	[sflag:s0] =	ssyncadd.remote.s32 $0x1  }
0xd3: {  	_ =	sfence.sel $0xFFFF  }
0xd4: {  	[dreg:$0x0] =	wrdreg $0xFFFFFFFF;
	(pc) =	sbr.abs _section_cstart, $3  }
0xd5: {  	[dreg:$0x1] =	wrdreg $0xFFFFFFFF  }
0xd6: {  	_ =	task.clear_ibuf [dreg:s22], $0x2FFFF;
	_ =	strace $0x9FFFFFFF  }
0xd7: {  	(tm) =	ssettm $0x7FFFFFFF  }
tec
execute0_lowered:
.L_overlay_start_1:
0x0: {  	(tag) =	ssettag $0x1  }
0x1: {  	s1 =	rddreg [dreg:$0x0]  }
0x2: {  	s4 =	rddreg [dreg:$0x1]  }
0x3: {  	s0 =	rddreg [dreg:$0x2];
	s5 =	srdreg.scid  }
0x4: {  	s3 =	simm.s32 $0x0;
	s2 =	stileid.u32;
	s10 =	simm.s32 $0x0  }
0x5: {  	s5 =	sand.u32 $0x1, s5;
	[smem:$0x7FF] =	sst s3;
	s6 =	sshll.u32 s2, $0xC  }
0x6: {  	s8 =	sshll.u32 s2, $0x10;
	s7 =	sshll.u32 s5, $0xB;
	_ =	strace $0x8000004D  }
0x7: {  	s31 =	ssub.s32 $0x2, s5;
	s8 =	sadd.s32 s8, s4;
	s5 =	sshll.u32 s5, $0xF  }
0x8: {  	s6 =	sor.u32 s7, s6;
	s9 =	sshrl.u32 s31, $0x1;
	s5 =	sadd.s32 s5, s8  }
0x9: {  	s8 =	simm.s32 $0x80;
	s6 =	sshrl.u32 s6, $0x3;
	s7 =	ssub.s32 s31, s9  }
0xa: {  	s5 =	sadd.s32 $0x206800, s5;
	s9 =	simm.s32 $0x1;
	s6 =	sadd.s32 s6, s4  }
0xb: {  	s4 =	smax.u32 s7, $0x1;
	s7 =	simm.s32 $0x2;
	s6 =	sadd.s32 $0x4800, s6  }
.LBB2_1:
0xc: {  	s11 =	sadd.s32 $0x0, s6  }
0xd: {  	[tilespmem:s3], [sflag:$0x2] =	stream.linear.gather [hbm4b:s11+s3], $0x80, $0x38;
	[tilespmem:$0x4080] =	vst v63  }
0xe: {  	_ =	swait.ge [sflag:s7], $0x80  }
0xf: {  	[sflag:s7] =	ssyncset.done $0x0  }
0x10: {  	[sflag:s7] =	ssyncadd.s32 $0xFFFFFF80  }
0x11: {  	[tilespmem:s8], [sflag:$0x1] =	stream.indirect.gather [hbm4b:s1+s8], $0x80, s3, s8, $0xb8;
	[tilespmem:$0x4080] =	vst v63  }
0x12: {  	_ =	swait.ge [sflag:s9], $0x4000  }
0x13: {  	[sflag:s9] =	ssyncset.done $0x0  }
0x14: {  	[sflag:s9] =	ssyncadd.s32 $0xFFFFC000  }
0x15: {  	[hbm4b:s5+s3] =	stream.linear.scatter [tilespmem:s8], [sflag:$0x2], $0x4000, $0x38;
	[tilespmem:$0x4080] =	vst v63  }
0x16: {  	s12 =	simm.s32 $0x10;
	_ =	swait.ge [sflag:s7], $0x4000  }
0x17: {  	s13 =	simm.s32 $0x20;
	s11 =	sadd.s32 $0x800, s5;
	[sflag:s7] =	ssyncset.done $0x0  }
.LBB2_2:
0x18: {  	s14 =	sadd.s32 s12, s6  }
0x19: {  	[sflag:s7] =	ssyncadd.s32 $0xFFFFC000;
	s12 =	smov.u32 s13;
	s15 =	sadd.s32 $0x10, s13  }
0x1a: {  	[tilespmem:s3], [sflag:$0x2] =	stream.linear.gather [hbm4b:s14+s3], $0x80, $0x38;
	[tilespmem:$0x4080] =	vst v63  }
0x1b: {  	p0 =	sne.s32 s13, $0xF0;
	_ =	swait.ge [sflag:s7], $0x80  }
0x1c: {  	[sflag:s7] =	ssyncset.done $0x0  }
0x1d: {  	[sflag:s7] =	ssyncadd.s32 $0xFFFFFF80  }
0x1e: {  	[tilespmem:s8], [sflag:$0x1] =	stream.indirect.gather [hbm4b:s1+s8], $0x80, s3, s8, $0xb8;
	[tilespmem:$0x4080] =	vst v63  }
0x1f: {  	_ =	swait.ge [sflag:s9], $0x4000  }
.Ltmp0:
0x20: {  	[sflag:s9] =	ssyncset.done $0x0;
	(pc) =	sbr.rel @p0 .LBB2_2-.Ltmp0, $4  }
0x21: {  	[sflag:s9] =	ssyncadd.s32 $0xFFFFC000  }
0x22: {  	[hbm4b:s11+s3] =	stream.linear.scatter [tilespmem:s8], [sflag:$0x2], $0x4000, $0x38;
	[tilespmem:$0x4080] =	vst v63  }
0x23: {  	_ =	swait.ge [sflag:s7], $0x4000  }
0x24: {  	s13 =	smov.u32 s15;
	s11 =	sadd.s32 $0x800, s11;
	[sflag:s7] =	ssyncset.done $0x0  }
0x25: {  	s12 =	sadd.s32 s12, s6;
	[sflag:s7] =	ssyncadd.s32 $0xFFFFC000  }
0x26: {  	[tilespmem:s3], [sflag:$0x2] =	stream.linear.gather [hbm4b:s12+s3], $0x80, $0x38;
	[tilespmem:$0x4080] =	vst v63  }
0x27: {  	_ =	swait.ge [sflag:s7], $0x80  }
0x28: {  	[sflag:s7] =	ssyncset.done $0x0  }
0x29: {  	[sflag:s7] =	ssyncadd.s32 $0xFFFFFF80  }
0x2a: {  	[tilespmem:s8], [sflag:$0x1] =	stream.indirect.gather [hbm4b:s1+s8], $0x80, s3, s8, $0xb8;
	[tilespmem:$0x4080] =	vst v63  }
0x2b: {  	s10 =	sadd.s32 $0x1, s10;
	_ =	swait.ge [sflag:s9], $0x4000  }
0x2c: {  	p0 =	sne.s32 s10, s4;
	[sflag:s9] =	ssyncset.done $0x0  }
.Ltmp1:
0x2d: {  	[sflag:s9] =	ssyncadd.s32 $0xFFFFC000;
	(pc) =	sbr.rel @p0 .LBB2_1-.Ltmp1, $4  }
0x2e: {  	[hbm4b:s11+s3] =	stream.linear.scatter [tilespmem:s8], [sflag:$0x2], $0x4000, $0x38;
	[tilespmem:$0x4080] =	vst v63  }
0x2f: {  	_ =	swait.ge [sflag:s7], $0x4000  }
0x30: {  	[sflag:s7] =	ssyncset.done $0x0  }
0x31: {  	[sflag:s7] =	ssyncadd.s32 $0xFFFFC000  }
0x32: {  	_ =	sfence.sel $0x180000  }
0x33: {  	[bflag:$0x0] =	sbarrier.arrive $0xFFFF  }
0x34: {  	p0 =	sne.s32 s2, $0x0;
	_ =	strace $0x9000004D  }
0x35: {  	s0 =	sadd.s32 @!p0 $0x100000, s0;
	[bflag:$0x2] =	sbarrier.arrive $0xFFFF  }
0x36: {  	[sflag:s0] =	ssyncadd.tile.s32 @!p0 $0x1;
	_ =	shalt  }
.Lfunc_end2:
_tile_overlayer_lowered:
.L_overlay_start_2:
0x37: {  	(tag) =	ssettag $0x2  }
0x38: {  	s0 =	rddreg [dreg:$0x0];
	s2 =	stileid.u32  }
0x39: {  	s1 =	rddreg [dreg:$0x1];
	p0 =	sne.s32 s2, $0x0  }
0x3a: {  	s3 =	rddreg [dreg:$0x2];
	[bflag:$0x3] =	sbarrier.arrive $0xFFFF;
	s2 =	simm.s32 @!p0 $0x1C02  }
0x3b: {  	[timem:s3], [sflag:s2] =	dma.local @!p0 [hbm:s0], s1  }
0x3c: {  	s0 =	simm.s32 @!p0 $0x2  }
0x3d: {  	_ =	swait.ge @!p0 [sflag:s0], s1  }
0x3e: {  	s1 =	ssub.s32 @!p0 $0x0, s1;
	[sflag:s0] =	ssyncset.done @!p0 $0x0  }
0x3f: {  	[sflag:s0] =	ssyncadd.s32 @!p0 s1  }
0x40: {  	[bflag:$0x3] =	sbarrier.arrive $0xFFFF  }
0x41: {  	_ =	shalt  }

</sc_bundles>
